<compile_context>
chip_gen: v7x
topology: tpu7x:2x2x1
jax: 0.10.2.dev20260603
libtpu: 0.0.44.dev20260713+nightly
codegen_flags: <defaults>
</compile_context>

<pallas_src>
import numpy as np
import jax
import jax.numpy as jnp
from jax.experimental import pallas as pl
from jax.experimental.pallas import tpu as pltpu

_FEAT_STRIDE = 16
_PRE = 12000
_POST = 2000
_TH = 0.7
_T = 128
_NT = 94
_NPAD = _NT * _T



def _whctrs(a):
    w = a[2] - a[0] + 1.0
    h = a[3] - a[1] + 1.0
    return w, h, a[0] + 0.5 * (w - 1), a[1] + 0.5 * (h - 1)


def _mkanchors(ws, hs, xc, yc):
    ws = np.asarray(ws, dtype=np.float64).reshape(-1, 1)
    hs = np.asarray(hs, dtype=np.float64).reshape(-1, 1)
    return np.hstack((xc - 0.5 * (ws - 1), yc - 0.5 * (hs - 1),
                      xc + 0.5 * (ws - 1), yc + 0.5 * (hs - 1)))


def _gen_anchors(base_size=16):
    ratios = np.array([0.5, 1.0, 2.0])
    scales = np.array([8, 16, 32])
    base = np.array([1.0, 1.0, base_size, base_size]) - 1
    w, h, xc, yc = _whctrs(base)
    size = w * h
    ws = np.round(np.sqrt(size / ratios))
    hs = np.round(ws * ratios)
    ra = _mkanchors(ws, hs, xc, yc)
    outs = []
    for i in range(ra.shape[0]):
        w, h, xc, yc = _whctrs(ra[i])
        outs.append(_mkanchors(w * scales, h * scales, xc, yc))
    return np.vstack(outs).astype(np.float32)


def _anchors_grid(H, W, A, anchors0):
    shift_x = np.arange(W) * _FEAT_STRIDE
    shift_y = np.arange(H) * _FEAT_STRIDE
    sx, sy = np.meshgrid(shift_x, shift_y)
    shifts = np.vstack((sx.ravel(), sy.ravel(), sx.ravel(), sy.ravel())
                       ).transpose().astype(np.float32)
    K = shifts.shape[0]
    anchors = anchors0[None, :, :] + shifts[:, None, :]
    return anchors.reshape(1, K * A, 4)



def _bbox_inv(boxes, deltas):
    widths = boxes[:, :, 2] - boxes[:, :, 0] + 1.0
    heights = boxes[:, :, 3] - boxes[:, :, 1] + 1.0
    ctr_x = boxes[:, :, 0] + 0.5 * widths
    ctr_y = boxes[:, :, 1] + 0.5 * heights
    dx = deltas[:, :, 0]
    dy = deltas[:, :, 1]
    dw = deltas[:, :, 2]
    dh = deltas[:, :, 3]
    pcx = dx * widths + ctr_x
    pcy = dy * heights + ctr_y
    pw = jnp.exp(dw) * widths
    ph = jnp.exp(dh) * heights
    return jnp.stack([pcx - 0.5 * pw, pcy - 0.5 * ph,
                      pcx + 0.5 * pw, pcy + 0.5 * ph], axis=2)


def _clip(boxes, im_info):
    h = im_info[:, 0:1]
    w = im_info[:, 1:2]
    x1 = jnp.clip(boxes[:, :, 0], 0.0, w - 1.0)
    y1 = jnp.clip(boxes[:, :, 1], 0.0, h - 1.0)
    x2 = jnp.clip(boxes[:, :, 2], 0.0, w - 1.0)
    y2 = jnp.clip(boxes[:, :, 3], 0.0, h - 1.0)
    return jnp.stack([x1, y1, x2, y2], axis=2)



_OPAD = _POST + _T + 48


def _nms_kernel(lanes_ref, out_ref, ct_ref, cmp_ref, krow_ref, ne_ref, cnt_ref):
    pid = pl.program_id(0)
    lane5 = jax.lax.broadcasted_iota(jnp.int32, (1, _OPAD, 5), 2)
    out_ref[...] = jnp.where(lane5 == 0, pid.astype(jnp.float32), 0.0)
    cmp_ref[...] = jnp.zeros((_OPAD, 4), jnp.float32)
    cnt_ref[0] = 0
    cnt_ref[1] = 0

    def init_body(k, carry):
        sl = lanes_ref[0, pl.ds(8 * k, 8), :]
        tr = jnp.transpose(sl, (1, 0))
        a0 = (tr[:, 2:3] - tr[:, 0:1] + 1.0) * (tr[:, 3:4] - tr[:, 1:2] + 1.0)
        a1 = (tr[:, 6:7] - tr[:, 4:5] + 1.0) * (tr[:, 7:8] - tr[:, 5:6] + 1.0)
        ct_ref[pl.ds((2 * k) * _T, _T), 0:4] = tr[:, 0:4]
        ct_ref[pl.ds((2 * k) * _T, _T), 5:6] = a0
        ct_ref[pl.ds((2 * k + 1) * _T, _T), 0:4] = tr[:, 4:8]
        ct_ref[pl.ds((2 * k + 1) * _T, _T), 5:6] = a1
        return carry

    jax.lax.fori_loop(0, _NT // 2, init_body, 0)

    lane_i = jax.lax.broadcasted_iota(jnp.int32, (1, _T), 1)

    def tile_body(t, carry):
        c0 = cnt_ref[0]

        @pl.when(c0 < _POST)
        def _process():
            bt = lanes_ref[0, pl.ds(4 * t, 4), :]
            x1t = bt[0:1, :]
            y1t = bt[1:2, :]
            x2t = bt[2:3, :]
            y2t = bt[3:4, :]
            area_t = (x2t - x1t + 1.0) * (y2t - y1t + 1.0)
            pad = (t * _T + lane_i >= _PRE).astype(jnp.float32)

            def iou_hits(src):
                xx1 = jnp.maximum(src[:, 0:1], x1t)
                yy1 = jnp.maximum(src[:, 1:2], y1t)
                xx2 = jnp.minimum(src[:, 2:3], x2t)
                yy2 = jnp.minimum(src[:, 3:4], y2t)
                w = jnp.maximum(0.0, xx2 - xx1 + 1.0)
                h = jnp.maximum(0.0, yy2 - yy1 + 1.0)
                inter = w * h
                ovr = inter / (src[:, 5:6] + area_t - inter)
                return ovr > _TH

            def pair_body(q, s):
                p = ne_ref[q]
                src = ct_ref[pl.ds(p * _T, _T), :]
                hit = jnp.logical_and(iou_hits(src), src[:, 4:5] < 0.5)
                return jnp.maximum(
                    s, jnp.max(hit.astype(jnp.float32), axis=0, keepdims=True))

            s0 = jax.lax.fori_loop(0, cnt_ref[1], pair_body, pad)
            u0 = 1.0 - s0

            src = ct_ref[pl.ds(t * _T, _T), :]
            hit = iou_hits(src)
            sub_i = jax.lax.broadcasted_iota(jnp.int32, (_T, _T), 0)
            lan_j = jax.lax.broadcasted_iota(jnp.int32, (_T, _T), 1)
            m = jnp.where(jnp.logical_and(hit, lan_j > sub_i), 1.0, 0.0)

            def fx(u):
                ut = jnp.transpose(u, (1, 0))
                sup_u = jnp.max(m * ut, axis=0, keepdims=True)
                d = u * (1.0 - sup_u)
                dt = jnp.transpose(d, (1, 0))
                sup_d = jnp.max(m * dt, axis=0, keepdims=True)
                return u * (1.0 - sup_d)

            u1 = fx(u0)
            u2 = fx(u1)
            krow_ref[0:1, :] = u2
            v = u2 + 10000.0 * jnp.where(u2 != u1, 1.0, 0.0)
            c = jnp.sum(v)
            cnt_ref[2] = c.astype(jnp.int32)

            @pl.when(c >= 9999.5)
            def _unconverged():
                def fx_cond(carry):
                    return carry[1]

                def fx_body(carry):
                    uu, _ = carry
                    uu2 = fx(uu)
                    return (uu2, jnp.any(uu2 != uu))

                kept2, _ = jax.lax.while_loop(
                    fx_cond, fx_body, (u2, jnp.any(u2 > -1.0)))
                krow_ref[0:1, :] = kept2
                cnt_ref[2] = jnp.sum(kept2).astype(jnp.int32)

            kept = krow_ref[0:1, :]
            nk = cnt_ref[2]
            ct_ref[pl.ds(t * _T, _T), 4:5] = jnp.transpose(1.0 - kept, (1, 0))

            @pl.when(nk > 0)
            def _record():
                ne = cnt_ref[1]
                ne_ref[ne] = t
                cnt_ref[1] = ne + 1

            tri = (sub_i < lan_j).astype(jnp.float32)
            prefix = jax.lax.dot_general(
                kept, tri, (((1,), (0,)), ((), ())),
                preferred_element_type=jnp.float32)
            sel = jnp.logical_and(sub_i == prefix.astype(jnp.int32),
                                  kept > 0.0)
            neg = jnp.float32(-3e38)
            comp = jnp.concatenate(
                [jnp.max(jnp.where(sel, c2, neg), axis=1, keepdims=True)
                 for c2 in (x1t, y1t, x2t, y2t)], axis=1)
            rvalid = jax.lax.broadcasted_iota(jnp.int32, (_T, 1), 0) < nk
            comp = jnp.where(rvalid, comp, 0.0)
            cc = cnt_ref[0]
            cmp_ref[pl.ds(cc, _T), :] = comp
            cnt_ref[0] = cc + nk

        return carry

    jax.lax.fori_loop(0, _NT, tile_body, 0)
    out_ref[0, :, 1:5] = cmp_ref[...]



def kernel(scores, bbox_deltas, im_info):
    anchors0 = _gen_anchors()
    A = anchors0.shape[0]
    sc = scores[:, A:, :, :]
    B = bbox_deltas.shape[0]
    H, W = sc.shape[2], sc.shape[3]
    anchors = jnp.asarray(_anchors_grid(H, W, A, anchors0))
    anchors = jnp.broadcast_to(anchors, (B, anchors.shape[1], 4))
    deltas = jnp.transpose(bbox_deltas, (0, 2, 3, 1)).reshape(B, -1, 4)
    sc_flat = jnp.transpose(sc, (0, 2, 3, 1)).reshape(B, -1)

    proposals = _bbox_inv(anchors, deltas)
    proposals = _clip(proposals, im_info)

    order = jnp.argsort(-sc_flat, axis=1)[:, :_PRE]
    props = jnp.take_along_axis(proposals, order[:, :, None], axis=1)

    props = jnp.concatenate(
        [props, jnp.zeros((B, _NPAD - _PRE, 4), jnp.float32)], axis=1)
    lanes = props.reshape(B, _NT, _T, 4).transpose(0, 1, 3, 2)
    lanes = lanes.reshape(B, 4 * _NT, _T)

    out = pl.pallas_call(
        _nms_kernel,
        grid=(B,),
        in_specs=[pl.BlockSpec((1, 4 * _NT, _T), lambda b: (b, 0, 0))],
        out_specs=pl.BlockSpec((1, _OPAD, 5), lambda b: (b, 0, 0)),
        out_shape=jax.ShapeDtypeStruct((B, _OPAD, 5), jnp.float32),
        scratch_shapes=[
            pltpu.VMEM((_NPAD, 8), jnp.float32),
            pltpu.VMEM((_OPAD, 4), jnp.float32),
            pltpu.VMEM((8, _T), jnp.float32),
            pltpu.SMEM((_NT + 2,), jnp.int32),
            pltpu.SMEM((4,), jnp.int32),
        ],
        compiler_params=pltpu.CompilerParams(
            dimension_semantics=("parallel",)),
    )(lanes)
    return out[:, :_POST, :]

# --- scband reference (transcript-rebuilt; emitter-appended) ---
"""Pipeline reference for scband-proposal-layer-9371618639963 (READ-ONLY COPY).

The authoritative reference and input builder live on the scoring server;
editing this copy changes nothing except your own understanding.
"""

import jax, jax.numpy as jnp
import numpy as np

FEAT_STRIDE = 16
PRE_NMS_TOPN = 12000
POST_NMS_TOPN = 2000
NMS_THRESH = 0.7

def _whctrs(a):
    w = a[2] - a[0] + 1.0
    h = a[3] - a[1] + 1.0
    return w, h, a[0] + 0.5 * (w - 1), a[1] + 0.5 * (h - 1)

def _mkanchors(ws, hs, xc, yc):
    ws = np.asarray(ws, dtype=np.float64).reshape(-1, 1)
    hs = np.asarray(hs, dtype=np.float64).reshape(-1, 1)
    return np.hstack((xc - 0.5 * (ws - 1), yc - 0.5 * (hs - 1), xc + 0.5 * (ws - 1), yc + 0.5 * (hs - 1)))

def _ratio_enum(anchor, ratios):
    w, h, xc, yc = _whctrs(anchor)
    size = w * h
    ws = np.round(np.sqrt(size / ratios))
    hs = np.round(ws * ratios)
    return _mkanchors(ws, hs, xc, yc)

def _scale_enum(anchor, scales):
    w, h, xc, yc = _whctrs(anchor)
    return _mkanchors(w * scales, h * scales, xc, yc)

def generate_anchors(base_size=16, ratios=np.array([0.5, 1.0, 2.0]), scales=np.array([8, 16, 32])):
    base = np.array([1.0, 1.0, base_size, base_size]) - 1
    ra = _ratio_enum(base, ratios)
    return np.vstack([_scale_enum(ra[i], scales) for i in range(ra.shape[0])]).astype(np.float32)

def bbox_transform_inv(boxes, deltas):
    widths = boxes[:, :, 2] - boxes[:, :, 0] + 1.0
    heights = boxes[:, :, 3] - boxes[:, :, 1] + 1.0
    ctr_x = boxes[:, :, 0] + 0.5 * widths
    ctr_y = boxes[:, :, 1] + 0.5 * heights
    dx = deltas[:, :, 0]
    dy = deltas[:, :, 1]
    dw = deltas[:, :, 2]
    dh = deltas[:, :, 3]
    pcx = dx * widths + ctr_x
    pcy = dy * heights + ctr_y
    pw = jnp.exp(dw) * widths
    ph = jnp.exp(dh) * heights
    return jnp.stack([pcx - 0.5 * pw, pcy - 0.5 * ph, pcx + 0.5 * pw, pcy + 0.5 * ph], axis=2)

def clip_boxes(boxes, im_info):
    h = im_info[:, 0:1]
    w = im_info[:, 1:2]
    x1 = jnp.clip(boxes[:, :, 0], 0.0, w - 1.0)
    y1 = jnp.clip(boxes[:, :, 1], 0.0, h - 1.0)
    x2 = jnp.clip(boxes[:, :, 2], 0.0, w - 1.0)
    y2 = jnp.clip(boxes[:, :, 3], 0.0, h - 1.0)
    return jnp.stack([x1, y1, x2, y2], axis=2)

def nms_np(dets, thresh, max_keep):
    x1, y1, x2, y2 = dets[:, 0], dets[:, 1], dets[:, 2], dets[:, 3]
    areas = (x2 - x1 + 1.0) * (y2 - y1 + 1.0)
    n = dets.shape[0]
    suppressed = np.zeros(n, dtype=bool)
    keep = []
    for i in range(n):
        if suppressed[i]:
            continue
        keep.append(i)
        if len(keep) >= max_keep:
            break
        xx1 = np.maximum(x1[i], x1[i + 1:])
        yy1 = np.maximum(y1[i], y1[i + 1:])
        xx2 = np.minimum(x2[i], x2[i + 1:])
        yy2 = np.minimum(y2[i], y2[i + 1:])
        w = np.maximum(0.0, xx2 - xx1 + 1.0)
        h = np.maximum(0.0, yy2 - yy1 + 1.0)
        inter = w * h
        ovr = inter / (areas[i] + areas[i + 1:] - inter)
        suppressed[i + 1:] |= ovr > thresh
    return np.asarray(keep, dtype=np.int64)

def nms_jax_fixed(dets, thresh, max_keep):
    x1, y1, x2, y2 = dets[:, 0], dets[:, 1], dets[:, 2], dets[:, 3]
    areas = (x2 - x1 + 1.0) * (y2 - y1 + 1.0)
    n = dets.shape[0]
    idx = jnp.arange(n)

    def body(i, state):
        suppressed, keep, count = state
        can = jnp.logical_and(jnp.logical_not(suppressed[i]), count < max_keep)
        keep = jnp.where(can, keep.at[count].set(i), keep)
        xx1 = jnp.maximum(x1[i], x1)
        yy1 = jnp.maximum(y1[i], y1)
        xx2 = jnp.minimum(x2[i], x2)
        yy2 = jnp.minimum(y2[i], y2)
        w = jnp.maximum(0.0, xx2 - xx1 + 1.0)
        h = jnp.maximum(0.0, yy2 - yy1 + 1.0)
        inter = w * h
        ovr = inter / (areas[i] + areas - inter)
        mask = jnp.logical_and(idx > i, ovr > thresh)
        suppressed = jnp.where(can, jnp.logical_or(suppressed, mask), suppressed)
        count = count + can.astype(jnp.int32)
        return suppressed, keep, count

    suppressed0 = jnp.zeros(n, dtype=bool)
    keep0 = jnp.zeros(max_keep, dtype=jnp.int32)
    _, keep, count = jax.lax.fori_loop(0, n, body, (suppressed0, keep0, jnp.int32(0)))
    return keep, count

def _make_anchors_grid(H, W, A, anchors0):
    shift_x = np.arange(W) * FEAT_STRIDE
    shift_y = np.arange(H) * FEAT_STRIDE
    sx, sy = np.meshgrid(shift_x, shift_y)
    shifts = np.vstack((sx.ravel(), sy.ravel(), sx.ravel(), sy.ravel())).transpose().astype(np.float32)
    K = shifts.shape[0]
    anchors = anchors0[None, :, :] + shifts[:, None, :]
    return anchors.reshape(1, K * A, 4)

def setup_inputs(seed: int = 0):
    key = jax.random.key(seed)
    k1, k2, k3 = jax.random.split(key, 3)
    scores = jax.random.normal(k1, (4, 18, 48, 48), dtype=jnp.float32)
    bbox_deltas = jax.random.normal(k2, (4, 36, 48, 48), dtype=jnp.float32)
    im_info = jax.random.randint(k3, (4, 3), 0, 768).astype(jnp.float32)
    return {"scores": scores, "bbox_deltas": bbox_deltas, "im_info": im_info}

def reference(scores, bbox_deltas, im_info):
    anchors0 = generate_anchors(scales=np.array([8, 16, 32]), ratios=np.array([0.5, 1.0, 2.0]))
    A = anchors0.shape[0]
    sc = scores[:, A:, :, :]
    B = bbox_deltas.shape[0]
    H, W = sc.shape[2], sc.shape[3]
    anchors = jnp.asarray(_make_anchors_grid(H, W, A, anchors0))
    anchors = jnp.broadcast_to(anchors, (B, anchors.shape[1], 4))
    deltas = jnp.transpose(bbox_deltas, (0, 2, 3, 1)).reshape(B, -1, 4)
    sc_flat = jnp.transpose(sc, (0, 2, 3, 1)).reshape(B, -1)
    proposals = bbox_transform_inv(anchors, deltas)
    proposals = clip_boxes(proposals, im_info)
    order = jnp.argsort(-sc_flat, axis=1)
    rows = []
    for i in range(B):
        ord_i = order[i][:PRE_NMS_TOPN]
        props = proposals[i][ord_i]
        scs = sc_flat[i][ord_i]
        dets = jnp.concatenate([props, scs[:, None]], axis=1)
        keep, count = nms_jax_fixed(dets, NMS_THRESH, POST_NMS_TOPN)
        valid = jnp.arange(POST_NMS_TOPN) < count
        props_k = jnp.where(valid[:, None], props[keep], 0.0)
        col0 = jnp.full((POST_NMS_TOPN, 1), float(i), dtype=jnp.float32)
        rows.append(jnp.concatenate([col0, props_k.astype(jnp.float32)], axis=1))
    output = jnp.stack(rows, axis=0)
    return output

if __name__ == "__main__":
    import jax
    _d = setup_inputs()
    print(jax.jit(kernel)(*tuple(_d.values())))

</pallas_src>

<mosaic_0001>
module attributes {stable_mosaic.version = 14 : i64} {
  func.func @_nms_kernel(%arg0: i32, %arg1: memref<1x376x128xf32, #tpu.memory_space<vmem>>, %arg2: memref<1x2176x5xf32, #tpu.memory_space<vmem>>, %arg3: memref<12032x8xf32, #tpu.memory_space<vmem>>, %arg4: memref<2176x4xf32, #tpu.memory_space<vmem>>, %arg5: memref<8x128xf32, #tpu.memory_space<vmem>>, %arg6: memref<96xi32, #tpu.memory_space<smem>>, %arg7: memref<4xi32, #tpu.memory_space<smem>>) attributes {dimension_semantics = [#tpu.dimension_semantics<parallel>], iteration_bounds = array<i64: 4>, scalar_prefetch = 0 : i64, scratch_operands = 5 : i64, tpu.core_type = #tpu.core_type<tc>, window_params = [{transform_indices = @transform_0, window_bounds = array<i64: 1, 376, 128>}, {transform_indices = @transform_1, window_bounds = array<i64: 1, 2176, 5>}]} {
    %iota3A = tpu.iota {dimensions = array<i32: 2>} : vector<1x2176x5xi32>
    %eq3A = arith.constant 0 : i32
    %eq3A_0 = vector.broadcast %eq3A : i32 to vector<1x2176x5xi32>
    %eq3A_1 = arith.cmpi eq, %iota3A, %eq3A_0 : vector<1x2176x5xi32>
    %convert_element_type3A = arith.sitofp %arg0 : i32 to f32
    %jit3A = arith.constant 0.000000e+00 : f32
    %broadcast_in_dim3A = vector.broadcast %convert_element_type3A : f32 to vector<1x2176x5xf32>
    %broadcast_in_dim3A_2 = vector.broadcast %jit3A : f32 to vector<1x2176x5xf32>
    %select_n3A = arith.select %eq3A_1, %broadcast_in_dim3A, %broadcast_in_dim3A_2 : vector<1x2176x5xi1>, vector<1x2176x5xf32>
    %swap3A = arith.constant 0 : index
    %swap3A_3 = arith.constant 0 : index
    %swap3A_4 = arith.constant 0 : index
    %swap3A_5 = vector.load %arg2[%swap3A, %swap3A_3, %swap3A_4] : memref<1x2176x5xf32, #tpu.memory_space<vmem>>, vector<1x2176x5xf32>
    tpu.vector_store %arg2[%swap3A, %swap3A_3, %swap3A_4], %select_n3A {strides = array<i32>} : memref<1x2176x5xf32, #tpu.memory_space<vmem>>, vector<1x2176x5xf32>,
    %broadcast_in_dim3A_6 = arith.constant 0.000000e+00 : f32
    %broadcast_in_dim3A_7 = vector.broadcast %broadcast_in_dim3A_6 : f32 to vector<2176x4xf32>
    %swap3A_8 = arith.constant 0 : index
    %swap3A_9 = arith.constant 0 : index
    %swap3A_10 = vector.load %arg4[%swap3A_8, %swap3A_9] : memref<2176x4xf32, #tpu.memory_space<vmem>>, vector<2176x4xf32>
    tpu.vector_store %arg4[%swap3A_8, %swap3A_9], %broadcast_in_dim3A_7 {strides = array<i32>} : memref<2176x4xf32, #tpu.memory_space<vmem>>, vector<2176x4xf32>,
    %swap3A_11 = arith.constant 0 : i32
    %swap3A_12 = arith.constant 0 : index
    %swap3A_13 = memref.load %arg7[%swap3A_12] : memref<4xi32, #tpu.memory_space<smem>>
    memref.store %swap3A_11, %arg7[%swap3A_12] : memref<4xi32, #tpu.memory_space<smem>>
    %swap3A_14 = arith.constant 0 : i32
    %swap3A_15 = arith.constant 1 : index
    %swap3A_16 = memref.load %arg7[%swap3A_15] : memref<4xi32, #tpu.memory_space<smem>>
    memref.store %swap3A_14, %arg7[%swap3A_15] : memref<4xi32, #tpu.memory_space<smem>>
    %scan3A = arith.constant 0 : i32
    %scan3A_17 = arith.constant 47 : i32
    %scan3A_18 = arith.addi %scan3A, %scan3A_17 : i32
    %scan3A_19 = arith.constant 1 : i32
    scf.for %scan3A_35 = %scan3A to %scan3A_18 step %scan3A_19  : i32 {
      %mul3A = arith.constant 8 : i32
      %mul3A_36 = arith.muli %mul3A, %scan3A_35 : i32
      %get3A_37 = arith.constant 0 : index
      %get3A_38 = arith.index_cast %mul3A_36 : i32 to index
      %get3A_39 = arith.constant 0 : index
      %get3A_40 = vector.load %arg1[%get3A_37, %get3A_38, %get3A_39] : memref<1x376x128xf32, #tpu.memory_space<vmem>>, vector<1x8x128xf32>
      %get3A_41 = vector.shape_cast %get3A_40 : vector<1x8x128xf32> to vector<8x128xf32>
      %transpose3A = tpu.transpose %get3A_41, [1, 0] : vector<8x128xf32> -> vector<128x8xf32>
      %slice3A = vector.extract_strided_slice %transpose3A {offsets = [0, 2], sizes = [128, 1], strides = [1, 1]} : vector<128x8xf32> to vector<128x1xf32>
      %slice3A_42 = vector.extract_strided_slice %transpose3A {offsets = [0, 0], sizes = [128, 1], strides = [1, 1]} : vector<128x8xf32> to vector<128x1xf32>
      %sub3A = arith.subf %slice3A, %slice3A_42 : vector<128x1xf32>
      %add3A = arith.constant 1.000000e+00 : f32
      %add3A_43 = vector.broadcast %add3A : f32 to vector<128x1xf32>
      %add3A_44 = arith.addf %sub3A, %add3A_43 : vector<128x1xf32>
      %slice3A_45 = vector.extract_strided_slice %transpose3A {offsets = [0, 3], sizes = [128, 1], strides = [1, 1]} : vector<128x8xf32> to vector<128x1xf32>
      %slice3A_46 = vector.extract_strided_slice %transpose3A {offsets = [0, 1], sizes = [128, 1], strides = [1, 1]} : vector<128x8xf32> to vector<128x1xf32>
      %sub3A_47 = arith.subf %slice3A_45, %slice3A_46 : vector<128x1xf32>
      %add3A_48 = arith.constant 1.000000e+00 : f32
      %add3A_49 = vector.broadcast %add3A_48 : f32 to vector<128x1xf32>
      %add3A_50 = arith.addf %sub3A_47, %add3A_49 : vector<128x1xf32>
      %mul3A_51 = arith.mulf %add3A_44, %add3A_50 : vector<128x1xf32>
      %slice3A_52 = vector.extract_strided_slice %transpose3A {offsets = [0, 6], sizes = [128, 1], strides = [1, 1]} : vector<128x8xf32> to vector<128x1xf32>
      %slice3A_53 = vector.extract_strided_slice %transpose3A {offsets = [0, 4], sizes = [128, 1], strides = [1, 1]} : vector<128x8xf32> to vector<128x1xf32>
      %sub3A_54 = arith.subf %slice3A_52, %slice3A_53 : vector<128x1xf32>
      %add3A_55 = arith.constant 1.000000e+00 : f32
      %add3A_56 = vector.broadcast %add3A_55 : f32 to vector<128x1xf32>
      %add3A_57 = arith.addf %sub3A_54, %add3A_56 : vector<128x1xf32>
      %slice3A_58 = vector.extract_strided_slice %transpose3A {offsets = [0, 7], sizes = [128, 1], strides = [1, 1]} : vector<128x8xf32> to vector<128x1xf32>
      %slice3A_59 = vector.extract_strided_slice %transpose3A {offsets = [0, 5], sizes = [128, 1], strides = [1, 1]} : vector<128x8xf32> to vector<128x1xf32>
      %sub3A_60 = arith.subf %slice3A_58, %slice3A_59 : vector<128x1xf32>
      %add3A_61 = arith.constant 1.000000e+00 : f32
      %add3A_62 = vector.broadcast %add3A_61 : f32 to vector<128x1xf32>
      %add3A_63 = arith.addf %sub3A_60, %add3A_62 : vector<128x1xf32>
      %mul3A_64 = arith.mulf %add3A_57, %add3A_63 : vector<128x1xf32>
      %slice3A_65 = vector.extract_strided_slice %transpose3A {offsets = [0, 0], sizes = [128, 4], strides = [1, 1]} : vector<128x8xf32> to vector<128x4xf32>
      %mul3A_66 = arith.constant 2 : i32
      %mul3A_67 = arith.muli %mul3A_66, %scan3A_35 : i32
      %mul3A_68 = arith.constant 128 : i32
      %mul3A_69 = arith.muli %mul3A_67, %mul3A_68 : i32
      %swap3A_70 = arith.index_cast %mul3A_69 : i32 to index
      %swap3A_71 = arith.constant 0 : index
      %swap3A_72 = vector.load %arg3[%swap3A_70, %swap3A_71] : memref<12032x8xf32, #tpu.memory_space<vmem>>, vector<128x4xf32>
      tpu.vector_store %arg3[%swap3A_70, %swap3A_71], %slice3A_65 {strides = array<i32>} : memref<12032x8xf32, #tpu.memory_space<vmem>>, vector<128x4xf32>,
      %mul3A_73 = arith.constant 2 : i32
      %mul3A_74 = arith.muli %mul3A_73, %scan3A_35 : i32
      %mul3A_75 = arith.constant 128 : i32
      %mul3A_76 = arith.muli %mul3A_74, %mul3A_75 : i32
      %swap3A_77 = arith.index_cast %mul3A_76 : i32 to index
      %swap3A_78 = arith.constant 5 : index
      %swap3A_79 = vector.load %arg3[%swap3A_77, %swap3A_78] : memref<12032x8xf32, #tpu.memory_space<vmem>>, vector<128x1xf32>
      tpu.vector_store %arg3[%swap3A_77, %swap3A_78], %mul3A_51 {strides = array<i32>} : memref<12032x8xf32, #tpu.memory_space<vmem>>, vector<128x1xf32>,
      %slice3A_80 = vector.extract_strided_slice %transpose3A {offsets = [0, 4], sizes = [128, 4], strides = [1, 1]} : vector<128x8xf32> to vector<128x4xf32>
      %mul3A_81 = arith.constant 2 : i32
      %mul3A_82 = arith.muli %mul3A_81, %scan3A_35 : i32
      %add3A_83 = arith.constant 1 : i32
      %add3A_84 = arith.addi %mul3A_82, %add3A_83 : i32
      %mul3A_85 = arith.constant 128 : i32
      %mul3A_86 = arith.muli %add3A_84, %mul3A_85 : i32
      %swap3A_87 = arith.index_cast %mul3A_86 : i32 to index
      %swap3A_88 = arith.constant 0 : index
      %swap3A_89 = vector.load %arg3[%swap3A_87, %swap3A_88] : memref<12032x8xf32, #tpu.memory_space<vmem>>, vector<128x4xf32>
      tpu.vector_store %arg3[%swap3A_87, %swap3A_88], %slice3A_80 {strides = array<i32>} : memref<12032x8xf32, #tpu.memory_space<vmem>>, vector<128x4xf32>,
      %mul3A_90 = arith.constant 2 : i32
      %mul3A_91 = arith.muli %mul3A_90, %scan3A_35 : i32
      %add3A_92 = arith.constant 1 : i32
      %add3A_93 = arith.addi %mul3A_91, %add3A_92 : i32
      %mul3A_94 = arith.constant 128 : i32
      %mul3A_95 = arith.muli %add3A_93, %mul3A_94 : i32
      %swap3A_96 = arith.index_cast %mul3A_95 : i32 to index
      %swap3A_97 = arith.constant 5 : index
      %swap3A_98 = vector.load %arg3[%swap3A_96, %swap3A_97] : memref<12032x8xf32, #tpu.memory_space<vmem>>, vector<128x1xf32>
      tpu.vector_store %arg3[%swap3A_96, %swap3A_97], %mul3A_64 {strides = array<i32>} : memref<12032x8xf32, #tpu.memory_space<vmem>>, vector<128x1xf32>,
    }
    %scan3A_20 = arith.constant 47 : i32
    %iota3A_21 = tpu.iota {dimensions = array<i32: 1>} : vector<1x128xi32>
    %scan3A_22 = arith.constant 0 : i32
    %scan3A_23 = arith.constant 94 : i32
    %scan3A_24 = arith.addi %scan3A_22, %scan3A_23 : i32
    %scan3A_25 = arith.constant 1 : i32
    scf.for %scan3A_35 = %scan3A_22 to %scan3A_24 step %scan3A_25  : i32 {
      %get3A_36 = arith.constant 0 : index
      %get3A_37 = memref.load %arg7[%get3A_36] : memref<4xi32, #tpu.memory_space<smem>>
      %lt3A = arith.constant 2000 : i32
      %lt3A_38 = arith.cmpi slt, %get3A_37, %lt3A : i32
      %convert_element_type3A_39 = arith.extui %lt3A_38 : i1 to i32
      %cond3A = arith.constant 0 : i32
      %cond3A_40 = arith.cmpi ne, %convert_element_type3A_39, %cond3A : i32
      scf.if %cond3A_40 {
        %mul3A = arith.constant 4 : i32
        %mul3A_41 = arith.muli %mul3A, %scan3A_35 : i32
        %get3A_42 = arith.constant 0 : index
        %get3A_43 = arith.index_cast %mul3A_41 : i32 to index
        %get3A_44 = arith.constant 0 : index
        %get3A_45 = vector.load %arg1[%get3A_42, %get3A_43, %get3A_44] : memref<1x376x128xf32, #tpu.memory_space<vmem>>, vector<1x4x128xf32>
        %get3A_46 = vector.shape_cast %get3A_45 : vector<1x4x128xf32> to vector<4x128xf32>
        %slice3A = vector.extract_strided_slice %get3A_46 {offsets = [0, 0], sizes = [1, 128], strides = [1, 1]} : vector<4x128xf32> to vector<1x128xf32>
        %slice3A_47 = vector.extract_strided_slice %get3A_46 {offsets = [1, 0], sizes = [1, 128], strides = [1, 1]} : vector<4x128xf32> to vector<1x128xf32>
        %slice3A_48 = vector.extract_strided_slice %get3A_46 {offsets = [2, 0], sizes = [1, 128], strides = [1, 1]} : vector<4x128xf32> to vector<1x128xf32>
        %slice3A_49 = vector.extract_strided_slice %get3A_46 {offsets = [3, 0], sizes = [1, 128], strides = [1, 1]} : vector<4x128xf32> to vector<1x128xf32>
        %sub3A = arith.subf %slice3A_48, %slice3A : vector<1x128xf32>
        %add3A = arith.constant 1.000000e+00 : f32
        %add3A_50 = vector.broadcast %add3A : f32 to vector<1x128xf32>
        %add3A_51 = arith.addf %sub3A, %add3A_50 : vector<1x128xf32>
        %sub3A_52 = arith.subf %slice3A_49, %slice3A_47 : vector<1x128xf32>
        %add3A_53 = arith.constant 1.000000e+00 : f32
        %add3A_54 = vector.broadcast %add3A_53 : f32 to vector<1x128xf32>
        %add3A_55 = arith.addf %sub3A_52, %add3A_54 : vector<1x128xf32>
        %mul3A_56 = arith.mulf %add3A_51, %add3A_55 : vector<1x128xf32>
        %mul3A_57 = arith.constant 128 : i32
        %mul3A_58 = arith.muli %scan3A_35, %mul3A_57 : i32
        %add3A_59 = vector.broadcast %mul3A_58 : i32 to vector<1x128xi32>
        %add3A_60 = arith.addi %add3A_59, %iota3A_21 : vector<1x128xi32>
        %ge3A = arith.constant 12000 : i32
        %ge3A_61 = vector.broadcast %ge3A : i32 to vector<1x128xi32>
        %ge3A_62 = arith.cmpi sge, %add3A_60, %ge3A_61 : vector<1x128xi32>
        %convert_element_type3A_63 = arith.extui %ge3A_62 : vector<1x128xi1> to vector<1x128xi32>
        %convert_element_type3A_64 = arith.sitofp %convert_element_type3A_63 : vector<1x128xi32> to vector<1x128xf32>
        %get3A_65 = arith.constant 1 : index
        %get3A_66 = memref.load %arg7[%get3A_65] : memref<4xi32, #tpu.memory_space<smem>>
        %while3A = arith.constant 0 : i32
        %while3A_67 = arith.subi %get3A_66, %while3A : i32
        %while3A_68 = arith.addi %while3A, %while3A_67 : i32
        %while3A_69 = arith.constant 1 : i32
        %while3A_70 = arith.divsi %while3A_67, %while3A_69 : i32
        %while3A_71 = arith.muli %while3A_70, %while3A_69 : i32
        %while3A_72 = arith.addi %while3A, %while3A_71 : i32
        %while3A_73 = arith.constant 1 : i32
        %while3A_74 = scf.for %while3A_270 = %while3A to %while3A_72 step %while3A_73 iter_args(%while3A_271 = %convert_element_type3A_64) -> (vector<1x128xf32>)  : i32 {
          %get3A_272 = arith.index_cast %while3A_270 : i32 to index
          %get3A_273 = memref.load %arg6[%get3A_272] : memref<96xi32, #tpu.memory_space<smem>>
          %mul3A_274 = arith.constant 128 : i32
          %mul3A_275 = arith.muli %get3A_273, %mul3A_274 : i32
          %get3A_276 = arith.index_cast %mul3A_275 : i32 to index
          %get3A_277 = arith.constant 0 : index
          %get3A_278 = vector.load %arg3[%get3A_276, %get3A_277] : memref<12032x8xf32, #tpu.memory_space<vmem>>, vector<128x8xf32>
          %slice3A_279 = vector.extract_strided_slice %get3A_278 {offsets = [0, 0], sizes = [128, 1], strides = [1, 1]} : vector<128x8xf32> to vector<128x1xf32>
          %max3A_280 = vector.broadcast %slice3A_279 : vector<128x1xf32> to vector<128x128xf32>
          %max3A_281 = vector.broadcast %slice3A : vector<1x128xf32> to vector<128x128xf32>
          %max3A_282 = arith.maximumf %max3A_280, %max3A_281 : vector<128x128xf32>
          %slice3A_283 = vector.extract_strided_slice %get3A_278 {offsets = [0, 1], sizes = [128, 1], strides = [1, 1]} : vector<128x8xf32> to vector<128x1xf32>
          %max3A_284 = vector.broadcast %slice3A_283 : vector<128x1xf32> to vector<128x128xf32>
          %max3A_285 = vector.broadcast %slice3A_47 : vector<1x128xf32> to vector<128x128xf32>
          %max3A_286 = arith.maximumf %max3A_284, %max3A_285 : vector<128x128xf32>
          %slice3A_287 = vector.extract_strided_slice %get3A_278 {offsets = [0, 2], sizes = [128, 1], strides = [1, 1]} : vector<128x8xf32> to vector<128x1xf32>
          %min3A_288 = vector.broadcast %slice3A_287 : vector<128x1xf32> to vector<128x128xf32>
          %min3A_289 = vector.broadcast %slice3A_48 : vector<1x128xf32> to vector<128x128xf32>
          %min3A_290 = arith.minimumf %min3A_288, %min3A_289 : vector<128x128xf32>
          %slice3A_291 = vector.extract_strided_slice %get3A_278 {offsets = [0, 3], sizes = [128, 1], strides = [1, 1]} : vector<128x8xf32> to vector<128x1xf32>
          %min3A_292 = vector.broadcast %slice3A_291 : vector<128x1xf32> to vector<128x128xf32>
          %min3A_293 = vector.broadcast %slice3A_49 : vector<1x128xf32> to vector<128x128xf32>
          %min3A_294 = arith.minimumf %min3A_292, %min3A_293 : vector<128x128xf32>
          %sub3A_295 = arith.subf %min3A_290, %max3A_282 : vector<128x128xf32>
          %add3A_296 = arith.constant 1.000000e+00 : f32
          %add3A_297 = vector.broadcast %add3A_296 : f32 to vector<128x128xf32>
          %add3A_298 = arith.addf %sub3A_295, %add3A_297 : vector<128x128xf32>
          %max3A_299 = arith.constant 0.000000e+00 : f32
          %max3A_300 = vector.broadcast %max3A_299 : f32 to vector<128x128xf32>
          %max3A_301 = arith.maximumf %max3A_300, %add3A_298 : vector<128x128xf32>
          %sub3A_302 = arith.subf %min3A_294, %max3A_286 : vector<128x128xf32>
          %add3A_303 = arith.constant 1.000000e+00 : f32
          %add3A_304 = vector.broadcast %add3A_303 : f32 to vector<128x128xf32>
          %add3A_305 = arith.addf %sub3A_302, %add3A_304 : vector<128x128xf32>
          %max3A_306 = arith.constant 0.000000e+00 : f32
          %max3A_307 = vector.broadcast %max3A_306 : f32 to vector<128x128xf32>
          %max3A_308 = arith.maximumf %max3A_307, %add3A_305 : vector<128x128xf32>
          %mul3A_309 = arith.mulf %max3A_301, %max3A_308 : vector<128x128xf32>
          %slice3A_310 = vector.extract_strided_slice %get3A_278 {offsets = [0, 5], sizes = [128, 1], strides = [1, 1]} : vector<128x8xf32> to vector<128x1xf32>
          %add3A_311 = vector.broadcast %slice3A_310 : vector<128x1xf32> to vector<128x128xf32>
          %add3A_312 = vector.broadcast %mul3A_56 : vector<1x128xf32> to vector<128x128xf32>
          %add3A_313 = arith.addf %add3A_311, %add3A_312 : vector<128x128xf32>
          %sub3A_314 = arith.subf %add3A_313, %mul3A_309 : vector<128x128xf32>
          %div3A_315 = arith.divf %mul3A_309, %sub3A_314 : vector<128x128xf32>
          %gt3A_316 = arith.constant 0.699999988 : f32
          %gt3A_317 = vector.broadcast %gt3A_316 : f32 to vector<128x128xf32>
          %gt3A_318 = arith.cmpf ogt, %div3A_315, %gt3A_317 : vector<128x128xf32>
          %slice3A_319 = vector.extract_strided_slice %get3A_278 {offsets = [0, 4], sizes = [128, 1], strides = [1, 1]} : vector<128x8xf32> to vector<128x1xf32>
          %lt3A_320 = arith.constant 5.000000e-01 : f32
          %lt3A_321 = vector.broadcast %lt3A_320 : f32 to vector<128x1xf32>
          %lt3A_322 = arith.cmpf olt, %slice3A_319, %lt3A_321 : vector<128x1xf32>
          %and3A_323 = vector.broadcast %lt3A_322 : vector<128x1xi1> to vector<128x128xi1>
          %and3A_324 = arith.andi %gt3A_318, %and3A_323 : vector<128x128xi1>
          %convert_element_type3A_325 = arith.extui %and3A_324 : vector<128x128xi1> to vector<128x128xi32>
          %convert_element_type3A_326 = arith.sitofp %convert_element_type3A_325 : vector<128x128xi32> to vector<128x128xf32>
          %reduce_max3A_327 = arith.constant dense<0xFF800000> : vector<128xf32>
          %reduce_max3A_328 = vector.multi_reduction <maximumf>, %convert_element_type3A_326, %reduce_max3A_327 [0] : vector<128x128xf32> to vector<128xf32>
          %broadcast_in_dim3A_329 = vector.shape_cast %reduce_max3A_328 : vector<128xf32> to vector<1x128xf32>
          %max3A_330 = arith.maximumf %while3A_271, %broadcast_in_dim3A_329 : vector<1x128xf32>
          scf.yield %max3A_330 : vector<1x128xf32>
        }
        %while3A_75 = arith.constant 1 : i32
        %while3A_76 = scf.for %while3A_270 = %while3A_72 to %while3A_68 step %while3A_75 iter_args(%while3A_271 = %while3A_74) -> (vector<1x128xf32>)  : i32 {
          %get3A_272 = arith.index_cast %while3A_270 : i32 to index
          %get3A_273 = memref.load %arg6[%get3A_272] : memref<96xi32, #tpu.memory_space<smem>>
          %mul3A_274 = arith.constant 128 : i32
          %mul3A_275 = arith.muli %get3A_273, %mul3A_274 : i32
          %get3A_276 = arith.index_cast %mul3A_275 : i32 to index
          %get3A_277 = arith.constant 0 : index
          %get3A_278 = vector.load %arg3[%get3A_276, %get3A_277] : memref<12032x8xf32, #tpu.memory_space<vmem>>, vector<128x8xf32>
          %slice3A_279 = vector.extract_strided_slice %get3A_278 {offsets = [0, 0], sizes = [128, 1], strides = [1, 1]} : vector<128x8xf32> to vector<128x1xf32>
          %max3A_280 = vector.broadcast %slice3A_279 : vector<128x1xf32> to vector<128x128xf32>
          %max3A_281 = vector.broadcast %slice3A : vector<1x128xf32> to vector<128x128xf32>
          %max3A_282 = arith.maximumf %max3A_280, %max3A_281 : vector<128x128xf32>
          %slice3A_283 = vector.extract_strided_slice %get3A_278 {offsets = [0, 1], sizes = [128, 1], strides = [1, 1]} : vector<128x8xf32> to vector<128x1xf32>
          %max3A_284 = vector.broadcast %slice3A_283 : vector<128x1xf32> to vector<128x128xf32>
          %max3A_285 = vector.broadcast %slice3A_47 : vector<1x128xf32> to vector<128x128xf32>
          %max3A_286 = arith.maximumf %max3A_284, %max3A_285 : vector<128x128xf32>
          %slice3A_287 = vector.extract_strided_slice %get3A_278 {offsets = [0, 2], sizes = [128, 1], strides = [1, 1]} : vector<128x8xf32> to vector<128x1xf32>
          %min3A_288 = vector.broadcast %slice3A_287 : vector<128x1xf32> to vector<128x128xf32>
          %min3A_289 = vector.broadcast %slice3A_48 : vector<1x128xf32> to vector<128x128xf32>
          %min3A_290 = arith.minimumf %min3A_288, %min3A_289 : vector<128x128xf32>
          %slice3A_291 = vector.extract_strided_slice %get3A_278 {offsets = [0, 3], sizes = [128, 1], strides = [1, 1]} : vector<128x8xf32> to vector<128x1xf32>
          %min3A_292 = vector.broadcast %slice3A_291 : vector<128x1xf32> to vector<128x128xf32>
          %min3A_293 = vector.broadcast %slice3A_49 : vector<1x128xf32> to vector<128x128xf32>
          %min3A_294 = arith.minimumf %min3A_292, %min3A_293 : vector<128x128xf32>
          %sub3A_295 = arith.subf %min3A_290, %max3A_282 : vector<128x128xf32>
          %add3A_296 = arith.constant 1.000000e+00 : f32
          %add3A_297 = vector.broadcast %add3A_296 : f32 to vector<128x128xf32>
          %add3A_298 = arith.addf %sub3A_295, %add3A_297 : vector<128x128xf32>
          %max3A_299 = arith.constant 0.000000e+00 : f32
          %max3A_300 = vector.broadcast %max3A_299 : f32 to vector<128x128xf32>
          %max3A_301 = arith.maximumf %max3A_300, %add3A_298 : vector<128x128xf32>
          %sub3A_302 = arith.subf %min3A_294, %max3A_286 : vector<128x128xf32>
          %add3A_303 = arith.constant 1.000000e+00 : f32
          %add3A_304 = vector.broadcast %add3A_303 : f32 to vector<128x128xf32>
          %add3A_305 = arith.addf %sub3A_302, %add3A_304 : vector<128x128xf32>
          %max3A_306 = arith.constant 0.000000e+00 : f32
          %max3A_307 = vector.broadcast %max3A_306 : f32 to vector<128x128xf32>
          %max3A_308 = arith.maximumf %max3A_307, %add3A_305 : vector<128x128xf32>
          %mul3A_309 = arith.mulf %max3A_301, %max3A_308 : vector<128x128xf32>
          %slice3A_310 = vector.extract_strided_slice %get3A_278 {offsets = [0, 5], sizes = [128, 1], strides = [1, 1]} : vector<128x8xf32> to vector<128x1xf32>
          %add3A_311 = vector.broadcast %slice3A_310 : vector<128x1xf32> to vector<128x128xf32>
          %add3A_312 = vector.broadcast %mul3A_56 : vector<1x128xf32> to vector<128x128xf32>
          %add3A_313 = arith.addf %add3A_311, %add3A_312 : vector<128x128xf32>
          %sub3A_314 = arith.subf %add3A_313, %mul3A_309 : vector<128x128xf32>
          %div3A_315 = arith.divf %mul3A_309, %sub3A_314 : vector<128x128xf32>
          %gt3A_316 = arith.constant 0.699999988 : f32
          %gt3A_317 = vector.broadcast %gt3A_316 : f32 to vector<128x128xf32>
          %gt3A_318 = arith.cmpf ogt, %div3A_315, %gt3A_317 : vector<128x128xf32>
          %slice3A_319 = vector.extract_strided_slice %get3A_278 {offsets = [0, 4], sizes = [128, 1], strides = [1, 1]} : vector<128x8xf32> to vector<128x1xf32>
          %lt3A_320 = arith.constant 5.000000e-01 : f32
          %lt3A_321 = vector.broadcast %lt3A_320 : f32 to vector<128x1xf32>
          %lt3A_322 = arith.cmpf olt, %slice3A_319, %lt3A_321 : vector<128x1xf32>
          %and3A_323 = vector.broadcast %lt3A_322 : vector<128x1xi1> to vector<128x128xi1>
          %and3A_324 = arith.andi %gt3A_318, %and3A_323 : vector<128x128xi1>
          %convert_element_type3A_325 = arith.extui %and3A_324 : vector<128x128xi1> to vector<128x128xi32>
          %convert_element_type3A_326 = arith.sitofp %convert_element_type3A_325 : vector<128x128xi32> to vector<128x128xf32>
          %reduce_max3A_327 = arith.constant dense<0xFF800000> : vector<128xf32>
          %reduce_max3A_328 = vector.multi_reduction <maximumf>, %convert_element_type3A_326, %reduce_max3A_327 [0] : vector<128x128xf32> to vector<128xf32>
          %broadcast_in_dim3A_329 = vector.shape_cast %reduce_max3A_328 : vector<128xf32> to vector<1x128xf32>
          %max3A_330 = arith.maximumf %while3A_271, %broadcast_in_dim3A_329 : vector<1x128xf32>
          scf.yield %max3A_330 : vector<1x128xf32>
        }
        %sub3A_77 = arith.constant 1.000000e+00 : f32
        %sub3A_78 = vector.broadcast %sub3A_77 : f32 to vector<1x128xf32>
        %sub3A_79 = arith.subf %sub3A_78, %while3A_76 : vector<1x128xf32>
        %mul3A_80 = arith.constant 128 : i32
        %mul3A_81 = arith.muli %scan3A_35, %mul3A_80 : i32
        %get3A_82 = arith.index_cast %mul3A_81 : i32 to index
        %get3A_83 = arith.constant 0 : index
        %get3A_84 = vector.load %arg3[%get3A_82, %get3A_83] : memref<12032x8xf32, #tpu.memory_space<vmem>>, vector<128x8xf32>
        %slice3A_85 = vector.extract_strided_slice %get3A_84 {offsets = [0, 0], sizes = [128, 1], strides = [1, 1]} : vector<128x8xf32> to vector<128x1xf32>
        %max3A = vector.broadcast %slice3A_85 : vector<128x1xf32> to vector<128x128xf32>
        %max3A_86 = vector.broadcast %slice3A : vector<1x128xf32> to vector<128x128xf32>
        %max3A_87 = arith.maximumf %max3A, %max3A_86 : vector<128x128xf32>
        %slice3A_88 = vector.extract_strided_slice %get3A_84 {offsets = [0, 1], sizes = [128, 1], strides = [1, 1]} : vector<128x8xf32> to vector<128x1xf32>
        %max3A_89 = vector.broadcast %slice3A_88 : vector<128x1xf32> to vector<128x128xf32>
        %max3A_90 = vector.broadcast %slice3A_47 : vector<1x128xf32> to vector<128x128xf32>
        %max3A_91 = arith.maximumf %max3A_89, %max3A_90 : vector<128x128xf32>
        %slice3A_92 = vector.extract_strided_slice %get3A_84 {offsets = [0, 2], sizes = [128, 1], strides = [1, 1]} : vector<128x8xf32> to vector<128x1xf32>
        %min3A = vector.broadcast %slice3A_92 : vector<128x1xf32> to vector<128x128xf32>
        %min3A_93 = vector.broadcast %slice3A_48 : vector<1x128xf32> to vector<128x128xf32>
        %min3A_94 = arith.minimumf %min3A, %min3A_93 : vector<128x128xf32>
        %slice3A_95 = vector.extract_strided_slice %get3A_84 {offsets = [0, 3], sizes = [128, 1], strides = [1, 1]} : vector<128x8xf32> to vector<128x1xf32>
        %min3A_96 = vector.broadcast %slice3A_95 : vector<128x1xf32> to vector<128x128xf32>
        %min3A_97 = vector.broadcast %slice3A_49 : vector<1x128xf32> to vector<128x128xf32>
        %min3A_98 = arith.minimumf %min3A_96, %min3A_97 : vector<128x128xf32>
        %sub3A_99 = arith.subf %min3A_94, %max3A_87 : vector<128x128xf32>
        %add3A_100 = arith.constant 1.000000e+00 : f32
        %add3A_101 = vector.broadcast %add3A_100 : f32 to vector<128x128xf32>
        %add3A_102 = arith.addf %sub3A_99, %add3A_101 : vector<128x128xf32>
        %max3A_103 = arith.constant 0.000000e+00 : f32
        %max3A_104 = vector.broadcast %max3A_103 : f32 to vector<128x128xf32>
        %max3A_105 = arith.maximumf %max3A_104, %add3A_102 : vector<128x128xf32>
        %sub3A_106 = arith.subf %min3A_98, %max3A_91 : vector<128x128xf32>
        %add3A_107 = arith.constant 1.000000e+00 : f32
        %add3A_108 = vector.broadcast %add3A_107 : f32 to vector<128x128xf32>
        %add3A_109 = arith.addf %sub3A_106, %add3A_108 : vector<128x128xf32>
        %max3A_110 = arith.constant 0.000000e+00 : f32
        %max3A_111 = vector.broadcast %max3A_110 : f32 to vector<128x128xf32>
        %max3A_112 = arith.maximumf %max3A_111, %add3A_109 : vector<128x128xf32>
        %mul3A_113 = arith.mulf %max3A_105, %max3A_112 : vector<128x128xf32>
        %slice3A_114 = vector.extract_strided_slice %get3A_84 {offsets = [0, 5], sizes = [128, 1], strides = [1, 1]} : vector<128x8xf32> to vector<128x1xf32>
        %add3A_115 = vector.broadcast %slice3A_114 : vector<128x1xf32> to vector<128x128xf32>
        %add3A_116 = vector.broadcast %mul3A_56 : vector<1x128xf32> to vector<128x128xf32>
        %add3A_117 = arith.addf %add3A_115, %add3A_116 : vector<128x128xf32>
        %sub3A_118 = arith.subf %add3A_117, %mul3A_113 : vector<128x128xf32>
        %div3A = arith.divf %mul3A_113, %sub3A_118 : vector<128x128xf32>
        %gt3A = arith.constant 0.699999988 : f32
        %gt3A_119 = vector.broadcast %gt3A : f32 to vector<128x128xf32>
        %gt3A_120 = arith.cmpf ogt, %div3A, %gt3A_119 : vector<128x128xf32>
        %iota3A_121 = tpu.iota {dimensions = array<i32: 0>} : vector<128x128xi32>
        %iota3A_122 = tpu.iota {dimensions = array<i32: 1>} : vector<128x128xi32>
        %gt3A_123 = arith.cmpi sgt, %iota3A_122, %iota3A_121 : vector<128x128xi32>
        %and3A = arith.andi %gt3A_120, %gt3A_123 : vector<128x128xi1>
        %jit3A_124 = arith.constant 1.000000e+00 : f32
        %jit3A_125 = arith.constant 0.000000e+00 : f32
        %broadcast_in_dim3A_126 = vector.broadcast %jit3A_124 : f32 to vector<128x128xf32>
        %broadcast_in_dim3A_127 = vector.broadcast %jit3A_125 : f32 to vector<128x128xf32>
        %select_n3A_128 = arith.select %and3A, %broadcast_in_dim3A_126, %broadcast_in_dim3A_127 : vector<128x128xi1>, vector<128x128xf32>
        %transpose3A = tpu.transpose %sub3A_79, [1, 0] : vector<1x128xf32> -> vector<128x1xf32>
        %mul3A_129 = vector.broadcast %transpose3A : vector<128x1xf32> to vector<128x128xf32>
        %mul3A_130 = arith.mulf %select_n3A_128, %mul3A_129 : vector<128x128xf32>
        %reduce_max3A = arith.constant dense<0xFF800000> : vector<128xf32>
        %reduce_max3A_131 = vector.multi_reduction <maximumf>, %mul3A_130, %reduce_max3A [0] : vector<128x128xf32> to vector<128xf32>
        %broadcast_in_dim3A_132 = vector.shape_cast %reduce_max3A_131 : vector<128xf32> to vector<1x128xf32>
        %sub3A_133 = arith.constant 1.000000e+00 : f32
        %sub3A_134 = vector.broadcast %sub3A_133 : f32 to vector<1x128xf32>
        %sub3A_135 = arith.subf %sub3A_134, %broadcast_in_dim3A_132 : vector<1x128xf32>
        %mul3A_136 = arith.mulf %sub3A_79, %sub3A_135 : vector<1x128xf32>
        %transpose3A_137 = tpu.transpose %mul3A_136, [1, 0] : vector<1x128xf32> -> vector<128x1xf32>
        %mul3A_138 = vector.broadcast %transpose3A_137 : vector<128x1xf32> to vector<128x128xf32>
        %mul3A_139 = arith.mulf %select_n3A_128, %mul3A_138 : vector<128x128xf32>
        %reduce_max3A_140 = arith.constant dense<0xFF800000> : vector<128xf32>
        %reduce_max3A_141 = vector.multi_reduction <maximumf>, %mul3A_139, %reduce_max3A_140 [0] : vector<128x128xf32> to vector<128xf32>
        %broadcast_in_dim3A_142 = vector.shape_cast %reduce_max3A_141 : vector<128xf32> to vector<1x128xf32>
        %sub3A_143 = arith.constant 1.000000e+00 : f32
        %sub3A_144 = vector.broadcast %sub3A_143 : f32 to vector<1x128xf32>
        %sub3A_145 = arith.subf %sub3A_144, %broadcast_in_dim3A_142 : vector<1x128xf32>
        %mul3A_146 = arith.mulf %sub3A_79, %sub3A_145 : vector<1x128xf32>
        %transpose3A_147 = tpu.transpose %mul3A_146, [1, 0] : vector<1x128xf32> -> vector<128x1xf32>
        %mul3A_148 = vector.broadcast %transpose3A_147 : vector<128x1xf32> to vector<128x128xf32>
        %mul3A_149 = arith.mulf %select_n3A_128, %mul3A_148 : vector<128x128xf32>
        %reduce_max3A_150 = arith.constant dense<0xFF800000> : vector<128xf32>
        %reduce_max3A_151 = vector.multi_reduction <maximumf>, %mul3A_149, %reduce_max3A_150 [0] : vector<128x128xf32> to vector<128xf32>
        %broadcast_in_dim3A_152 = vector.shape_cast %reduce_max3A_151 : vector<128xf32> to vector<1x128xf32>
        %sub3A_153 = arith.constant 1.000000e+00 : f32
        %sub3A_154 = vector.broadcast %sub3A_153 : f32 to vector<1x128xf32>
        %sub3A_155 = arith.subf %sub3A_154, %broadcast_in_dim3A_152 : vector<1x128xf32>
        %mul3A_156 = arith.mulf %mul3A_146, %sub3A_155 : vector<1x128xf32>
        %transpose3A_157 = tpu.transpose %mul3A_156, [1, 0] : vector<1x128xf32> -> vector<128x1xf32>
        %mul3A_158 = vector.broadcast %transpose3A_157 : vector<128x1xf32> to vector<128x128xf32>
        %mul3A_159 = arith.mulf %select_n3A_128, %mul3A_158 : vector<128x128xf32>
        %reduce_max3A_160 = arith.constant dense<0xFF800000> : vector<128xf32>
        %reduce_max3A_161 = vector.multi_reduction <maximumf>, %mul3A_159, %reduce_max3A_160 [0] : vector<128x128xf32> to vector<128xf32>
        %broadcast_in_dim3A_162 = vector.shape_cast %reduce_max3A_161 : vector<128xf32> to vector<1x128xf32>
        %sub3A_163 = arith.constant 1.000000e+00 : f32
        %sub3A_164 = vector.broadcast %sub3A_163 : f32 to vector<1x128xf32>
        %sub3A_165 = arith.subf %sub3A_164, %broadcast_in_dim3A_162 : vector<1x128xf32>
        %mul3A_166 = arith.mulf %mul3A_146, %sub3A_165 : vector<1x128xf32>
        %swap3A_167 = arith.constant 0 : index
        %swap3A_168 = arith.constant 0 : index
        %swap3A_169 = vector.load %arg5[%swap3A_167, %swap3A_168] : memref<8x128xf32, #tpu.memory_space<vmem>>, vector<1x128xf32>
        tpu.vector_store %arg5[%swap3A_167, %swap3A_168], %mul3A_166 {strides = array<i32>} : memref<8x128xf32, #tpu.memory_space<vmem>>, vector<1x128xf32>,
        %ne3A = arith.cmpf one, %mul3A_166, %mul3A_146 : vector<1x128xf32>
        %jit3A_170 = arith.constant 1.000000e+00 : f32
        %jit3A_171 = arith.constant 0.000000e+00 : f32
        %broadcast_in_dim3A_172 = vector.broadcast %jit3A_170 : f32 to vector<1x128xf32>
        %broadcast_in_dim3A_173 = vector.broadcast %jit3A_171 : f32 to vector<1x128xf32>
        %select_n3A_174 = arith.select %ne3A, %broadcast_in_dim3A_172, %broadcast_in_dim3A_173 : vector<1x128xi1>, vector<1x128xf32>
        %mul3A_175 = arith.constant 1.000000e+04 : f32
        %mul3A_176 = vector.broadcast %mul3A_175 : f32 to vector<1x128xf32>
        %mul3A_177 = arith.mulf %mul3A_176, %select_n3A_174 : vector<1x128xf32>
        %add3A_178 = arith.addf %mul3A_166, %mul3A_177 : vector<1x128xf32>
        %reduce_sum3A = vector.shape_cast %add3A_178 : vector<1x128xf32> to vector<1x1x128xf32>
        %reduce_sum3A_179 = arith.constant dense<0.000000e+00> : vector<1xf32>
        %reduce_sum3A_180 = vector.multi_reduction <add>, %reduce_sum3A, %reduce_sum3A_179 [1, 2] : vector<1x1x128xf32> to vector<1xf32>
        %reduce_sum3A_181 = vector.shape_cast %reduce_sum3A_180 : vector<1xf32> to vector<1x1x1xf32>
        %reduce_sum3A_182 = vector.extract %reduce_sum3A_181[0, 0, 0] : f32 from vector<1x1x1xf32>
        %convert_element_type3A_183 = arith.fptosi %reduce_sum3A_182 : f32 to i32
        %swap3A_184 = arith.constant 2 : index
        %swap3A_185 = memref.load %arg7[%swap3A_184] : memref<4xi32, #tpu.memory_space<smem>>
        memref.store %convert_element_type3A_183, %arg7[%swap3A_184] : memref<4xi32, #tpu.memory_space<smem>>
        %ge3A_186 = arith.constant 9.999500e+03 : f32
        %ge3A_187 = arith.cmpf oge, %reduce_sum3A_182, %ge3A_186 : f32
        %convert_element_type3A_188 = arith.extui %ge3A_187 : i1 to i32
        %cond3A_189 = arith.constant 0 : i32
        %cond3A_190 = arith.cmpi ne, %convert_element_type3A_188, %cond3A_189 : i32
        scf.if %cond3A_190 {
          %gt3A_270 = arith.constant -1.000000e+00 : f32
          %gt3A_271 = vector.broadcast %gt3A_270 : f32 to vector<1x128xf32>
          %gt3A_272 = arith.cmpf ogt, %mul3A_166, %gt3A_271 : vector<1x128xf32>
          %reduce_or3A = arith.constant 1.000000e+00 : f32
          %reduce_or3A_273 = arith.constant 0.000000e+00 : f32
          %reduce_or3A_274 = vector.broadcast %reduce_or3A : f32 to vector<1x128xf32>
          %reduce_or3A_275 = vector.broadcast %reduce_or3A_273 : f32 to vector<1x128xf32>
          %reduce_or3A_276 = arith.select %gt3A_272, %reduce_or3A_274, %reduce_or3A_275 : vector<1x128xi1>, vector<1x128xf32>
          %reduce_or3A_277 = vector.shape_cast %reduce_or3A_276 : vector<1x128xf32> to vector<1x1x128xf32>
          %reduce_or3A_278 = arith.constant dense<0xFF800000> : vector<1xf32>
          %reduce_or3A_279 = vector.multi_reduction <maximumf>, %reduce_or3A_277, %reduce_or3A_278 [1, 2] : vector<1x1x128xf32> to vector<1xf32>
          %reduce_or3A_280 = vector.shape_cast %reduce_or3A_279 : vector<1xf32> to vector<1x1x1xf32>
          %reduce_or3A_281 = vector.extract %reduce_or3A_280[0, 0, 0] : f32 from vector<1x1x1xf32>
          %reduce_or3A_282 = arith.constant 0.000000e+00 : f32
          %reduce_or3A_283 = arith.cmpf ogt, %reduce_or3A_281, %reduce_or3A_282 : f32
          %while3A_284:2 = scf.while (%while3A_296 = %mul3A_166, %while3A_297 = %reduce_or3A_283) : (vector<1x128xf32>, i1) -> (vector<1x128xf32>, i1) {
            scf.condition(%while3A_297) %while3A_296, %while3A_297 : vector<1x128xf32>, i1
          } do {
          ^bb0(%while3A_296: vector<1x128xf32>, %while3A_297: i1):
            %transpose3A_298 = tpu.transpose %while3A_296, [1, 0] : vector<1x128xf32> -> vector<128x1xf32>
            %mul3A_299 = vector.broadcast %transpose3A_298 : vector<128x1xf32> to vector<128x128xf32>
            %mul3A_300 = arith.mulf %select_n3A_128, %mul3A_299 : vector<128x128xf32>
            %reduce_max3A_301 = arith.constant dense<0xFF800000> : vector<128xf32>
            %reduce_max3A_302 = vector.multi_reduction <maximumf>, %mul3A_300, %reduce_max3A_301 [0] : vector<128x128xf32> to vector<128xf32>
            %broadcast_in_dim3A_303 = vector.shape_cast %reduce_max3A_302 : vector<128xf32> to vector<1x128xf32>
            %sub3A_304 = arith.constant 1.000000e+00 : f32
            %sub3A_305 = vector.broadcast %sub3A_304 : f32 to vector<1x128xf32>
            %sub3A_306 = arith.subf %sub3A_305, %broadcast_in_dim3A_303 : vector<1x128xf32>
            %mul3A_307 = arith.mulf %while3A_296, %sub3A_306 : vector<1x128xf32>
            %transpose3A_308 = tpu.transpose %mul3A_307, [1, 0] : vector<1x128xf32> -> vector<128x1xf32>
            %mul3A_309 = vector.broadcast %transpose3A_308 : vector<128x1xf32> to vector<128x128xf32>
            %mul3A_310 = arith.mulf %select_n3A_128, %mul3A_309 : vector<128x128xf32>
            %reduce_max3A_311 = arith.constant dense<0xFF800000> : vector<128xf32>
            %reduce_max3A_312 = vector.multi_reduction <maximumf>, %mul3A_310, %reduce_max3A_311 [0] : vector<128x128xf32> to vector<128xf32>
            %broadcast_in_dim3A_313 = vector.shape_cast %reduce_max3A_312 : vector<128xf32> to vector<1x128xf32>
            %sub3A_314 = arith.constant 1.000000e+00 : f32
            %sub3A_315 = vector.broadcast %sub3A_314 : f32 to vector<1x128xf32>
            %sub3A_316 = arith.subf %sub3A_315, %broadcast_in_dim3A_313 : vector<1x128xf32>
            %mul3A_317 = arith.mulf %while3A_296, %sub3A_316 : vector<1x128xf32>
            %ne3A_318 = arith.cmpf one, %mul3A_317, %while3A_296 : vector<1x128xf32>
            %reduce_or3A_319 = arith.constant 1.000000e+00 : f32
            %reduce_or3A_320 = arith.constant 0.000000e+00 : f32
            %reduce_or3A_321 = vector.broadcast %reduce_or3A_319 : f32 to vector<1x128xf32>
            %reduce_or3A_322 = vector.broadcast %reduce_or3A_320 : f32 to vector<1x128xf32>
            %reduce_or3A_323 = arith.select %ne3A_318, %reduce_or3A_321, %reduce_or3A_322 : vector<1x128xi1>, vector<1x128xf32>
            %reduce_or3A_324 = vector.shape_cast %reduce_or3A_323 : vector<1x128xf32> to vector<1x1x128xf32>
            %reduce_or3A_325 = arith.constant dense<0xFF800000> : vector<1xf32>
            %reduce_or3A_326 = vector.multi_reduction <maximumf>, %reduce_or3A_324, %reduce_or3A_325 [1, 2] : vector<1x1x128xf32> to vector<1xf32>
            %reduce_or3A_327 = vector.shape_cast %reduce_or3A_326 : vector<1xf32> to vector<1x1x1xf32>
            %reduce_or3A_328 = vector.extract %reduce_or3A_327[0, 0, 0] : f32 from vector<1x1x1xf32>
            %reduce_or3A_329 = arith.constant 0.000000e+00 : f32
            %reduce_or3A_330 = arith.cmpf ogt, %reduce_or3A_328, %reduce_or3A_329 : f32
            scf.yield %mul3A_317, %reduce_or3A_330 : vector<1x128xf32>, i1
          }
          %swap3A_285 = arith.constant 0 : index
          %swap3A_286 = arith.constant 0 : index
          %swap3A_287 = vector.load %arg5[%swap3A_285, %swap3A_286] : memref<8x128xf32, #tpu.memory_space<vmem>>, vector<1x128xf32>
          tpu.vector_store %arg5[%swap3A_285, %swap3A_286], %while3A_284#0 {strides = array<i32>} : memref<8x128xf32, #tpu.memory_space<vmem>>, vector<1x128xf32>,
          %reduce_sum3A_288 = vector.shape_cast %while3A_284#0 : vector<1x128xf32> to vector<1x1x128xf32>
          %reduce_sum3A_289 = arith.constant dense<0.000000e+00> : vector<1xf32>
          %reduce_sum3A_290 = vector.multi_reduction <add>, %reduce_sum3A_288, %reduce_sum3A_289 [1, 2] : vector<1x1x128xf32> to vector<1xf32>
          %reduce_sum3A_291 = vector.shape_cast %reduce_sum3A_290 : vector<1xf32> to vector<1x1x1xf32>
          %reduce_sum3A_292 = vector.extract %reduce_sum3A_291[0, 0, 0] : f32 from vector<1x1x1xf32>
          %convert_element_type3A_293 = arith.fptosi %reduce_sum3A_292 : f32 to i32
          %swap3A_294 = arith.constant 2 : index
          %swap3A_295 = memref.load %arg7[%swap3A_294] : memref<4xi32, #tpu.memory_space<smem>>
          memref.store %convert_element_type3A_293, %arg7[%swap3A_294] : memref<4xi32, #tpu.memory_space<smem>>
        } else {
        }
        %get3A_191 = arith.constant 0 : index
        %get3A_192 = arith.constant 0 : index
        %get3A_193 = vector.load %arg5[%get3A_191, %get3A_192] : memref<8x128xf32, #tpu.memory_space<vmem>>, vector<1x128xf32>
        %get3A_194 = arith.constant 2 : index
        %get3A_195 = memref.load %arg7[%get3A_194] : memref<4xi32, #tpu.memory_space<smem>>
        %sub3A_196 = arith.constant 1.000000e+00 : f32
        %sub3A_197 = vector.broadcast %sub3A_196 : f32 to vector<1x128xf32>
        %sub3A_198 = arith.subf %sub3A_197, %get3A_193 : vector<1x128xf32>
        %transpose3A_199 = tpu.transpose %sub3A_198, [1, 0] : vector<1x128xf32> -> vector<128x1xf32>
        %mul3A_200 = arith.constant 128 : i32
        %mul3A_201 = arith.muli %scan3A_35, %mul3A_200 : i32
        %swap3A_202 = arith.index_cast %mul3A_201 : i32 to index
        %swap3A_203 = arith.constant 4 : index
        %swap3A_204 = vector.load %arg3[%swap3A_202, %swap3A_203] : memref<12032x8xf32, #tpu.memory_space<vmem>>, vector<128x1xf32>
        tpu.vector_store %arg3[%swap3A_202, %swap3A_203], %transpose3A_199 {strides = array<i32>} : memref<12032x8xf32, #tpu.memory_space<vmem>>, vector<128x1xf32>,
        %gt3A_205 = arith.constant 0 : i32
        %gt3A_206 = arith.cmpi sgt, %get3A_195, %gt3A_205 : i32
        %convert_element_type3A_207 = arith.extui %gt3A_206 : i1 to i32
        %cond3A_208 = arith.constant 0 : i32
        %cond3A_209 = arith.cmpi ne, %convert_element_type3A_207, %cond3A_208 : i32
        scf.if %cond3A_209 {
          %get3A_270 = arith.constant 1 : index
          %get3A_271 = memref.load %arg7[%get3A_270] : memref<4xi32, #tpu.memory_space<smem>>
          %swap3A_272 = arith.index_cast %get3A_271 : i32 to index
          %swap3A_273 = memref.load %arg6[%swap3A_272] : memref<96xi32, #tpu.memory_space<smem>>
          memref.store %scan3A_35, %arg6[%swap3A_272] : memref<96xi32, #tpu.memory_space<smem>>
          %add3A_274 = arith.constant 1 : i32
          %add3A_275 = arith.addi %get3A_271, %add3A_274 : i32
          %swap3A_276 = arith.constant 1 : index
          %swap3A_277 = memref.load %arg7[%swap3A_276] : memref<4xi32, #tpu.memory_space<smem>>
          memref.store %add3A_275, %arg7[%swap3A_276] : memref<4xi32, #tpu.memory_space<smem>>
        } else {
        }
        %lt3A_210 = arith.cmpi slt, %iota3A_121, %iota3A_122 : vector<128x128xi32>
        %convert_element_type3A_211 = arith.extui %lt3A_210 : vector<128x128xi1> to vector<128x128xi32>
        %convert_element_type3A_212 = arith.sitofp %convert_element_type3A_211 : vector<128x128xi32> to vector<128x128xf32>
        %dot_general3A = arith.constant dense<0.000000e+00> : vector<1x128xf32>
        %dot_general3A_213 = tpu.matmul %get3A_193, %convert_element_type3A_212, %dot_general3A {dimension_numbers = #tpu.dot_dimension_numbers<[1], [0], [0], [1], [0, 0, 1, 1], [], []>, transpose_lhs_hint = false} : vector<1x128xf32>, vector<128x128xf32>, vector<1x128xf32> -> vector<1x128xf32>
        %convert_element_type3A_214 = arith.fptosi %dot_general3A_213 : vector<1x128xf32> to vector<1x128xi32>
        %eq3A_215 = vector.broadcast %convert_element_type3A_214 : vector<1x128xi32> to vector<128x128xi32>
        %eq3A_216 = arith.cmpi eq, %iota3A_121, %eq3A_215 : vector<128x128xi32>
        %gt3A_217 = arith.constant 0.000000e+00 : f32
        %gt3A_218 = vector.broadcast %gt3A_217 : f32 to vector<1x128xf32>
        %gt3A_219 = arith.cmpf ogt, %get3A_193, %gt3A_218 : vector<1x128xf32>
        %and3A_220 = vector.broadcast %gt3A_219 : vector<1x128xi1> to vector<128x128xi1>
        %and3A_221 = arith.andi %eq3A_216, %and3A_220 : vector<128x128xi1>
        %jit3A_222 = arith.constant -3.000000e+38 : f32
        %broadcast_in_dim3A_223 = vector.shape_cast %slice3A : vector<1x128xf32> to vector<1x128xf32>
        %broadcast_in_dim3A_224 = vector.broadcast %broadcast_in_dim3A_223 : vector<1x128xf32> to vector<128x128xf32>
        %broadcast_in_dim3A_225 = vector.broadcast %jit3A_222 : f32 to vector<128x128xf32>
        %select_n3A_226 = arith.select %and3A_221, %broadcast_in_dim3A_224, %broadcast_in_dim3A_225 : vector<128x128xi1>, vector<128x128xf32>
        %reduce_max3A_227 = arith.constant dense<0xFF800000> : vector<128xf32>
        %reduce_max3A_228 = vector.multi_reduction <maximumf>, %select_n3A_226, %reduce_max3A_227 [1] : vector<128x128xf32> to vector<128xf32>
        %broadcast_in_dim3A_229 = vector.shape_cast %reduce_max3A_228 : vector<128xf32> to vector<128x1xf32>
        %jit3A_230 = arith.constant -3.000000e+38 : f32
        %broadcast_in_dim3A_231 = vector.shape_cast %slice3A_47 : vector<1x128xf32> to vector<1x128xf32>
        %broadcast_in_dim3A_232 = vector.broadcast %broadcast_in_dim3A_231 : vector<1x128xf32> to vector<128x128xf32>
        %broadcast_in_dim3A_233 = vector.broadcast %jit3A_230 : f32 to vector<128x128xf32>
        %select_n3A_234 = arith.select %and3A_221, %broadcast_in_dim3A_232, %broadcast_in_dim3A_233 : vector<128x128xi1>, vector<128x128xf32>
        %reduce_max3A_235 = arith.constant dense<0xFF800000> : vector<128xf32>
        %reduce_max3A_236 = vector.multi_reduction <maximumf>, %select_n3A_234, %reduce_max3A_235 [1] : vector<128x128xf32> to vector<128xf32>
        %broadcast_in_dim3A_237 = vector.shape_cast %reduce_max3A_236 : vector<128xf32> to vector<128x1xf32>
        %jit3A_238 = arith.constant -3.000000e+38 : f32
        %broadcast_in_dim3A_239 = vector.shape_cast %slice3A_48 : vector<1x128xf32> to vector<1x128xf32>
        %broadcast_in_dim3A_240 = vector.broadcast %broadcast_in_dim3A_239 : vector<1x128xf32> to vector<128x128xf32>
        %broadcast_in_dim3A_241 = vector.broadcast %jit3A_238 : f32 to vector<128x128xf32>
        %select_n3A_242 = arith.select %and3A_221, %broadcast_in_dim3A_240, %broadcast_in_dim3A_241 : vector<128x128xi1>, vector<128x128xf32>
        %reduce_max3A_243 = arith.constant dense<0xFF800000> : vector<128xf32>
        %reduce_max3A_244 = vector.multi_reduction <maximumf>, %select_n3A_242, %reduce_max3A_243 [1] : vector<128x128xf32> to vector<128xf32>
        %broadcast_in_dim3A_245 = vector.shape_cast %reduce_max3A_244 : vector<128xf32> to vector<128x1xf32>
        %jit3A_246 = arith.constant -3.000000e+38 : f32
        %broadcast_in_dim3A_247 = vector.shape_cast %slice3A_49 : vector<1x128xf32> to vector<1x128xf32>
        %broadcast_in_dim3A_248 = vector.broadcast %broadcast_in_dim3A_247 : vector<1x128xf32> to vector<128x128xf32>
        %broadcast_in_dim3A_249 = vector.broadcast %jit3A_246 : f32 to vector<128x128xf32>
        %select_n3A_250 = arith.select %and3A_221, %broadcast_in_dim3A_248, %broadcast_in_dim3A_249 : vector<128x128xi1>, vector<128x128xf32>
        %reduce_max3A_251 = arith.constant dense<0xFF800000> : vector<128xf32>
        %reduce_max3A_252 = vector.multi_reduction <maximumf>, %select_n3A_250, %reduce_max3A_251 [1] : vector<128x128xf32> to vector<128xf32>
        %broadcast_in_dim3A_253 = vector.shape_cast %reduce_max3A_252 : vector<128xf32> to vector<128x1xf32>
        %concatenate3A = tpu.concatenate %broadcast_in_dim3A_229, %broadcast_in_dim3A_237, %broadcast_in_dim3A_245, %broadcast_in_dim3A_253 in 1 : vector<128x1xf32>, vector<128x1xf32>, vector<128x1xf32>, vector<128x1xf32> -> vector<128x4xf32>
        %iota3A_254 = tpu.iota {dimensions = array<i32: 0>} : vector<128x1xi32>
        %lt3A_255 = vector.broadcast %get3A_195 : i32 to vector<128x1xi32>
        %lt3A_256 = arith.cmpi slt, %iota3A_254, %lt3A_255 : vector<128x1xi32>
        %jit3A_257 = arith.constant 0.000000e+00 : f32
        %broadcast_in_dim3A_258 = vector.shape_cast %lt3A_256 : vector<128x1xi1> to vector<128x1xi1>
        %broadcast_in_dim3A_259 = vector.broadcast %broadcast_in_dim3A_258 : vector<128x1xi1> to vector<128x4xi1>
        %broadcast_in_dim3A_260 = vector.broadcast %jit3A_257 : f32 to vector<128x4xf32>
        %select_n3A_261 = arith.select %broadcast_in_dim3A_259, %concatenate3A, %broadcast_in_dim3A_260 : vector<128x4xi1>, vector<128x4xf32>
        %get3A_262 = arith.constant 0 : index
        %get3A_263 = memref.load %arg7[%get3A_262] : memref<4xi32, #tpu.memory_space<smem>>
        %swap3A_264 = arith.index_cast %get3A_263 : i32 to index
        %swap3A_265 = arith.constant 0 : index
        %swap3A_266 = vector.load %arg4[%swap3A_264, %swap3A_265] : memref<2176x4xf32, #tpu.memory_space<vmem>>, vector<128x4xf32>
        tpu.vector_store %arg4[%swap3A_264, %swap3A_265], %select_n3A_261 {strides = array<i32>} : memref<2176x4xf32, #tpu.memory_space<vmem>>, vector<128x4xf32>,
        %add3A_267 = arith.addi %get3A_263, %get3A_195 : i32
        %swap3A_268 = arith.constant 0 : index
        %swap3A_269 = memref.load %arg7[%swap3A_268] : memref<4xi32, #tpu.memory_space<smem>>
        memref.store %add3A_267, %arg7[%swap3A_268] : memref<4xi32, #tpu.memory_space<smem>>
      } else {
      }
    }
    %scan3A_26 = arith.constant 94 : i32
    %get3A = arith.constant 0 : index
    %get3A_27 = arith.constant 0 : index
    %get3A_28 = vector.load %arg4[%get3A, %get3A_27] : memref<2176x4xf32, #tpu.memory_space<vmem>>, vector<2176x4xf32>
    %swap3A_29 = arith.constant 0 : index
    %swap3A_30 = arith.constant 0 : index
    %swap3A_31 = arith.constant 1 : index
    %swap3A_32 = vector.load %arg2[%swap3A_29, %swap3A_30, %swap3A_31] : memref<1x2176x5xf32, #tpu.memory_space<vmem>>, vector<1x2176x4xf32>
    %swap3A_33 = vector.shape_cast %swap3A_32 : vector<1x2176x4xf32> to vector<2176x4xf32>
    %swap3A_34 = vector.shape_cast %get3A_28 : vector<2176x4xf32> to vector<1x2176x4xf32>
    tpu.vector_store %arg2[%swap3A_29, %swap3A_30, %swap3A_31], %swap3A_34 {strides = array<i32>} : memref<1x2176x5xf32, #tpu.memory_space<vmem>>, vector<1x2176x4xf32>,
    return
  }
  func.func @transform_0(%arg0: i32) -> (i32, i32, i32) {
    %c0_i32 = arith.constant 0 : i32
    %c0_i32_0 = arith.constant 0 : i32
    %c0_i32_1 = arith.constant 0 : i32
    return %arg0, %c0_i32, %c0_i32_0 : i32, i32, i32
  }
  func.func @transform_1(%arg0: i32) -> (i32, i32, i32) {
    %c0_i32 = arith.constant 0 : i32
    %c0_i32_0 = arith.constant 0 : i32
    %c0_i32_1 = arith.constant 0 : i32
    return %arg0, %c0_i32, %c0_i32_0 : i32, i32, i32
  }
}

</mosaic_0001>

<sc_bundles>
// kernel: gather_offload_async_start
scs
__scs_entry_jumppad:
0x0: {  	(pc) =	sbr.rel $0x88, $3  }
0x1: {  	(tag) =	ssettag $0x0;
	lr =	simm.s32 $0x1  }
0x2: {  	[smem:$0x3F9E] =	sst lr;
	_ =	strace $0xD0000000  }
0x3: {  	_ = 	snop  }
0x4: {  	_ = 	snop  }
0x5: {  	_ = 	snop  }
0x6: {  	_ = 	snop  }
0x7: {  	_ = 	snop  }
__scs_overlays_trampoline_lowered:
0x8: {  	[smem:$0x3FAD] =	sst s0  }
0x9: {  	[smem:$0x3FAE] =	sst s1  }
0xa: {  	[smem:$0x3FAF] =	sst s2  }
0xb: {  	[smem:$0x3FB0] =	sst s3  }
0xc: {  	[smem:$0x3FB1] =	sst s4  }
0xd: {  	[smem:$0x3FB2] =	sst s5  }
0xe: {  	[smem:$0x3FB3] =	sst s6  }
0xf: {  	[smem:$0x3FB4] =	sst s7  }
0x10: {  	[smem:$0x3FB5] =	sst s8  }
0x11: {  	[smem:$0x3FB6] =	sst s9;
	s0 =	simm.s32 @!p0 $0x0  }
0x12: {  	s1 =	sld [smem:$0x3F9C];
	s0 =	simm.s32 @p0 $0x1  }
0x13: {  	[smem:$0x3FB7] =	sst s0;
	s0 =	simm.s32 @!p1 $0x0  }
0x14: {  	s2 =	sld [smem:$0x3F9B];
	s0 =	simm.s32 @p1 $0x1  }
0x15: {  	[smem:$0x3FB8] =	sst s0;
	s0 =	simm.s32 @!p2 $0x0  }
0x16: {  	s3 =	sld [smem:$0x3FDB];
	s0 =	simm.s32 @p2 $0x1  }
0x17: {  	s4 =	simm.s32 $0x1BF5;
	[smem:$0x3FBA] =	sst s0  }
0x18: {  	s0 =	sld [smem:$0x3F9D];
	_ =	swait.ge [sflag:s4], $0x0  }
0x19: {  	s7 =	sld [smem:$0x3F9E]  }
0x1a: {  	s8 =	sadd.s32 $0xFFFFE003, lr  }
0x1b: {  	s9 =	sadd.s32 $0xFFFFFEF7, lr;
	s5 =	simm.s32 $0xFFFFFFFF;
	p2 =	slt.u32 s8, $0xFFFFF086  }
0x1c: {  	p1 =	slt.u32 s9, $0xF7A;
	s5 =	simm.s32 @!p2 $0x0  }
0x1d: {  	s5 =	simm.s32 @p1 $0x1;
	p0 =	seq.s32 s7, s2  }
0x1e: {  	s7 =	smul.u32 @!p0 $0xF7A, s2;
	p2 =	seq.s32 @!p0 s5, $0x0  }
0x1f: {  	s9 =	smul.u32 $0xF7A, s1;
	s8 =	simm.s32 @!p0 $0x1BF5;
	p2 =	por !p2, p0  }
0x20: {  	[sflag:s8] =	ssyncset.s32 @!p0 $0xFFFFF086;
	s6 =	sadd.s32 @!p0 s3, s7;
	s7 =	simm.s32 @!p0 $0x108  }
0x21: {  	s3 =	sadd.s32 s3, s9;
	s6 =	sadd.s32 @!p0 $0x88, s6;
	s7 =	simm.s32 @p2 $0x1082  }
0x22: {  	[simem:s7], [sflag:s8] =	dma.local @!p0 [hbm:s6], $0xF7A  }
0x23: {  	s9 =	sor.u32 $0xD0000000, s2;
	s6 =	simm.s32 $0x108;
	_ =	swait.ge @!p0 [sflag:s8], $0x0  }
0x24: {  	s3 =	sadd.s32 $0x88, s3;
	s6 =	simm.s32 @!p1 $0x1082;
	[sflag:s4] =	ssyncset.s32 $0xFFFFF086  }
0x25: {  	[simem:s6], [sflag:s4] =	dma.local [hbm:s3], $0xF7A  }
0x26: {  	[smem:$0x3F9E] =	sst s1;
	(tag) =	ssettag s2;
	_ =	strace s9  }
0x27: {  	s1 =	sld [smem:$0x3FAE]  }
0x28: {  	s2 =	sld [smem:$0x3FAF]  }
0x29: {  	s4 =	sld [smem:$0x3FB1]  }
0x2a: {  	p0 =	seq.s32 s5, $0x0;
	s5 =	sld [smem:$0x3FB2]  }
0x2b: {  	s6 =	sld [smem:$0x3FB3]  }
0x2c: {  	s7 =	sld [smem:$0x3FB4]  }
0x2d: {  	s3 =	simm.s32 $0x108;
	s8 =	sld [smem:$0x3FB5]  }
0x2e: {  	s3 =	simm.s32 @!p0 $0x1082;
	s9 =	sld [smem:$0x3FB6]  }
0x2f: {  	lr =	sadd.s32 s0, s3;
	s0 =	sld [smem:$0x3FAD]  }
0x30: {  	s3 =	sld [smem:$0x3FB0]  }
0x31: {  	[smem:$0x3FB9] =	sst s10  }
0x32: {  	s10 =	sld [smem:$0x3FB7];
	_ =	sdelay $0x3  }
0x33: {  	p0 =	seq.s32 s10, $0x1;
	s10 =	sld [smem:$0x3FB9];
	_ =	sdelay $0x3  }
0x34: {  	[smem:$0x3FB9] =	sst s10  }
0x35: {  	s10 =	sld [smem:$0x3FB8];
	_ =	sdelay $0x3  }
0x36: {  	p1 =	seq.s32 s10, $0x1;
	s10 =	sld [smem:$0x3FB9];
	_ =	sdelay $0x3  }
0x37: {  	[smem:$0x3FB9] =	sst s10  }
0x38: {  	s10 =	sld [smem:$0x3FBA]  }
0x39: {  	_ = 	snop;
	(pc) =	sbr.ind lr, $3  }
0x3a: {  	_ = 	snop  }
0x3b: {  	_ = 	snop  }
0x3c: {  	p2 =	seq.s32 s10, $0x1;
	s10 =	sld [smem:$0x3FB9]  }
0x3d: {  	_ =	shalt  }
0x3e: {  	_ =	shalt  }
0x3f: {  	_ =	shalt  }
0x40: {  	_ =	shalt  }
0x41: {  	_ =	shalt  }
0x42: {  	_ =	shalt  }
0x43: {  	_ =	shalt  }
0x44: {  	_ =	shalt  }
0x45: {  	_ =	shalt  }
0x46: {  	_ =	shalt  }
0x47: {  	_ =	shalt  }
0x48: {  	_ =	shalt  }
0x49: {  	_ =	shalt  }
0x4a: {  	_ =	shalt  }
0x4b: {  	_ =	shalt  }
0x4c: {  	_ =	shalt  }
0x4d: {  	_ =	shalt  }
0x4e: {  	_ =	shalt  }
0x4f: {  	_ =	shalt  }
0x50: {  	_ =	shalt  }
0x51: {  	_ =	shalt  }
0x52: {  	_ =	shalt  }
0x53: {  	_ =	shalt  }
0x54: {  	_ =	shalt  }
0x55: {  	_ =	shalt  }
0x56: {  	_ =	shalt  }
0x57: {  	_ =	shalt  }
0x58: {  	_ =	shalt  }
0x59: {  	_ =	shalt  }
0x5a: {  	_ =	shalt  }
0x5b: {  	_ =	shalt  }
0x5c: {  	_ =	shalt  }
0x5d: {  	_ =	shalt  }
0x5e: {  	_ =	shalt  }
0x5f: {  	_ =	shalt  }
0x60: {  	_ =	shalt  }
0x61: {  	_ =	shalt  }
0x62: {  	_ =	shalt  }
0x63: {  	_ =	shalt  }
0x64: {  	_ =	shalt  }
0x65: {  	_ =	shalt  }
0x66: {  	_ =	shalt  }
0x67: {  	_ =	shalt  }
0x68: {  	_ =	shalt  }
0x69: {  	_ =	shalt  }
0x6a: {  	_ =	shalt  }
0x6b: {  	_ =	shalt  }
0x6c: {  	_ =	shalt  }
0x6d: {  	_ =	shalt  }
0x6e: {  	_ =	shalt  }
0x6f: {  	_ =	shalt  }
0x70: {  	_ =	shalt  }
0x71: {  	_ =	shalt  }
0x72: {  	_ =	shalt  }
0x73: {  	_ =	shalt  }
0x74: {  	_ =	shalt  }
0x75: {  	_ =	shalt  }
0x76: {  	_ =	shalt  }
0x77: {  	_ =	shalt  }
0x78: {  	_ =	shalt  }
0x79: {  	_ =	shalt  }
0x7a: {  	_ =	shalt  }
0x7b: {  	_ =	shalt  }
0x7c: {  	_ =	shalt  }
0x7d: {  	_ =	shalt  }
0x7e: {  	_ =	shalt  }
0x7f: {  	_ =	shalt  }
0x80: {  	_ =	shalt  }
0x81: {  	_ =	shalt  }
0x82: {  	_ =	shalt  }
0x83: {  	_ =	shalt  }
0x84: {  	_ =	shalt  }
0x85: {  	_ =	shalt  }
0x86: {  	_ =	shalt  }
0x87: {  	_ =	shalt  }
.Lfunc_end0:
.L_simem_size_0:
called_computation_lowered:
.L_overlay_start_0:
0x88: {  	s2 =	sld [smem:$0x3FD9]  }
0x89: {  	s3 =	sld [smem:$0x3FFE];
	_ =	sdelay $0x1  }
0x8a: {  	s1 =	srdreg.scid  }
0x8b: {  	s0 =	sand.u32 $0x1, s1  }
0x8c: {  	s16 =	sshll.u32 s0, $0xA;
	s2 =	sadd.s32 s3, s2  }
0x8d: {  	s2 =	sadd.s32 s2, s16  }
0x8e: {  	[smem:$0x3FC5] =	sst s2  }
0x8f: {  	_ = 	snop  }
0x90: {  	(tm) =	ssettm $0x1  }
0x91: {  	s17 =	sld [smem:$0x3FFB];
	_ =	sdelay $0x3  }
0x92: {  	_ =	strace s17  }
0x93: {  	s2 =	sld [smem:$0x3FFC];
	_ =	sdelay $0x3  }
0x94: {  	_ =	strace s2  }
0x95: {  	s2 =	sld [smem:$0x3FFD];
	_ =	sdelay $0x3  }
0x96: {  	_ =	strace s2  }
0x97: {  	_ =	strace $0x8FFFFFFF  }
0x98: {  	s18 =	sld [smem:$0x3FDB];
	_ =	sdelay $0x1  }
0x99: {  	s19 =	simm.s32 $_scs_section_size  }
0x9a: {  	s4 =	simm.s32 $_size__tile_overlayer_lowered;
	s5 =	simm.s32 $_tile_overlayer_lowered  }
0x9b: {  	s22 =	simm.s32 $0x1BFF;
	s21 =	sshll.u32 s5, $0x1;
	s2 =	sadd.s32 s19, s18  }
0x9c: {  	s6 =	simm.s32 $0x0;
	s20 =	sshll.u32 s4, $0x1;
	s4 =	sadd.s32 s21, s2  }
0x9d: {  	[timem:s6], [sflag:s22] =	dma.local [hbm:s4], s20  }
0x9e: {  	_ =	swait.ge [sflag:s22], s20  }
0x9f: {  	s3 =	ssub.s32 $0x0, s20;
	[sflag:s22] =	ssyncset.done $0x0  }
0xa0: {  	[sflag:s22] =	ssyncadd.s32 s3;
	_ =	sdelay $0x1  }
0xa1: {  	s23 =	simm.s32 $0x1B8B  }
0xa2: {  	_ =	swait.ge [sflag:s23], $0x1  }
0xa3: {  	[sflag:s23] =	ssyncset.done $0x0  }
0xa4: {  	s25 =	simm.s32 $0x1B8E;
	s24 =	sld [smem:$0x3FFE];
	[sflag:s23] =	ssyncadd.s32 $0xFFFFFFFF  }
0xa5: {  	s26 =	simm.s32 $execute0_lowered;
	[smem:$0x3FD2] =	sst s25  }
0xa6: {  	s4 =	sshll.u32 s26, $0x1;
	_ =	strace $0x80000046;
	[dreg:$0x1] =	wrdreg $0xFFFFFFFF  }
0xa7: {  	s28 =	simm.s32 $_size_execute0_lowered;
	s2 =	sadd.s32 s2, s4;
	[dreg:$0x0] =	wrdreg $0x0  }
0xa8: {  	s4 =	sshll.u32 s28, $0x1;
	[dreg:$0x2] =	wrdreg s2  }
0xa9: {  	[dreg:$0x3] =	wrdreg s4  }
0xaa: {  	[dreg:$0x4] =	wrdreg $0xC0  }
0xab: {  	_ =	task [dreg:s6], $0x5FFFF  }
0xac: {  	[dreg:$0x1] =	wrdreg $0xFFFFFFFF  }
0xad: {  	[dreg:$0x0] =	wrdreg $0x60  }
0xae: {  	[dreg:$0x2] =	wrdreg s24  }
0xaf: {  	[dreg:$0x3] =	wrdreg $0x9  }
0xb0: {  	_ =	task.clear_ibuf [dreg:s6], $0x4FFFF;
	_ =	strace $0x90000046  }
0xb1: {  	s29 =	simm.s32 $0x9;
	_ =	strace $0x80000048  }
0xb2: {  	_ =	swait.ge [sflag:s29], $0x1  }
0xb3: {  	[sflag:s29] =	ssyncadd.s32 $0xFFFFFFFF  }
0xb4: {  	_ =	strace $0x90000048  }
0xb5: {  	_ =	sfence  }
0xb6: {  	s30 =	sld [smem:$0x0];
	_ =	sdelay $0x2  }
0xb7: {  	s31 =	sshll.u32 s1, $0xD;
	s1 =	sshrl.u32 s1, $0x2  }
0xb8: {  	s3 =	sand.u32 $0x4000, s31;
	s1 =	sadd.s32 s1, s30  }
0xb9: {  	s0 =	sor.u32 s3, s0;
	s1 =	sshll.u32 s1, $0x11  }
0xba: {  	s0 =	sor.u32 s1, s0  }
0xbb: {  	s0 =	sadd.s32 $0x8F2B, s0  }
0xbc: {  	[sflag:s0] =	ssyncadd.remote.s32 $0x1  }
0xbd: {  	_ =	sfence.sel $0xFFFF  }
0xbe: {  	[dreg:$0x0] =	wrdreg $0xFFFFFFFF;
	(pc) =	sbr.abs _section_cstart, $3  }
0xbf: {  	[dreg:$0x1] =	wrdreg $0xFFFFFFFF  }
0xc0: {  	_ =	task.clear_ibuf [dreg:s6], $0x2FFFF;
	_ =	strace $0x9FFFFFFF  }
0xc1: {  	(tm) =	ssettm $0x7FFFFFFF  }
tec
execute0_lowered:
.L_overlay_start_1:
0x0: {  	(tag) =	ssettag $0x1  }
0x1: {  	s0 =	srdreg.scid  }
0x2: {  	s1 =	sshll.u32 s0, $0x4  }
0x3: {  	s0 =	stileid.u32;
	s1 =	sand.u32 $0x10, s1  }
0x4: {  	s2 =	sor.u32 s0, s1  }
0x5: {  	s1 =	smul.u32 $0x3, s2  }
0x6: {  	s3 =	smin.u32 s2, $0x18  }
0x7: {  	s1 =	sadd.s32 s3, s1  }
0x8: {  	p0 =	slt.u32 s2, $0x18;
	s2 =	simm.s32 $0x640;
	s1 =	smul.u32 $0x190, s1  }
0x9: {  	s2 =	simm.s32 @!p0 $0x4B0  }
0xa: {  	s2 =	sadd.s32 s2, s1  }
0xb: {  	s3 =	smin.u32 s2, $0xBB80  }
0xc: {  	s7 =	ssub.s32 s3, s1  }
0xd: {  	p0 =	sgt.s32 s7, $0x0  }
0xe: {  	s7 =	simm.s32 @!p0 $0x0  }
0xf: {  	s31 =	sand.u32 $0xFFF0, s7  }
0x10: {  	s2 =	sshrl.u32 s31, $0x4  }
0x11: {  	s2 =	smul.u32 $0xA3E, s2  }
0x12: {  	s4 =	rddreg [dreg:$0x0];
	s6 =	simm.s32 $0x1  }
0x13: {  	s10 =	simm.s32 $0x3;
	s13 =	simm.s32 $0x0;
	s8 =	sshrl.u32 s2, $0x10  }
0x14: {  	s12 =	simm.s32 $0x0;
	s5 =	sadd.s32 $0x146A00, s4;
	s9 =	smul.u32 $0x190, s8  }
.Ltmp0:
0x15: {  	s11 =	smov.u32 s1;
	s2 =	rddreg [dreg:$0x1];
	(pc) =	sbr.rel .LBB2_1-.Ltmp0, $4  }
0x16: {  	_ =	strace $0x80000047;
	p0 =	sne.s32 s7, s9;
	s9 =	simm.s32 $0x1  }
0x17: {  	[sflag:s6] =	ssyncpa.u1 $0x0;
	s7 =	simm.s32 $0x2;
	s9 =	simm.s32 @!p0 $0x0  }
0x18: {  	[sflag:s7] =	ssyncpa.u1 $0x0;
	p0 =	por $0x0, $0x0;
	s8 =	sadd.s32 s8, s9  }
0x19: {  	vm0 =	vmmov $0xff;
	vm1 =	vcmask $0x3F20;
	s9 =	sadd.s32 $0x148200, s4;
	[sflag:s10] =	ssyncpa.u1 $0x0;
	s10 =	sadd.s32 $0x1, s8  }
.LBB2_6:
0x1a: {  	[hbm:s17] =	stream.linear.scatter [tilespmem:s14], [sflag:$0x3], $0x400, $0x38;
	[tilespmem:$0x19320] =	vst v63  }
.LBB2_7:
0x1b: {  	s13 =	sadd.s32 $0x190, s11  }
0x1c: {  	s15 =	smov.u32 s1;
	p2 =	slt.s32 s13, s3  }
0x1d: {  	s15 =	smov.u32 @p2 s13;
	p2 =	sne.s32 s12, s10  }
.Ltmp1:
0x1e: {  	p1 =	slt.u32 s12, $0x2;
	(pc) =	sbr.rel @!p2 .LBB2_8-.Ltmp1, $4  }
0x1f: {  	s14 =	simm.s32 @!p1 $0x3  }
0x20: {  	s16 =	sadd.s32 $0x1, s12;
	_ =	swait.ge @!p1 [sflag:s14], $0xC800  }
0x21: {  	p0 =	por !p0, !p0;
	s13 =	smov.u32 s11;
	[sflag:s14] =	ssyncset.done @!p1 $0x0  }
0x22: {  	s12 =	smov.u32 s16;
	s11 =	smov.u32 s15;
	[sflag:s14] =	ssyncadd.s32 @!p1 $0xFFFF3800  }
.LBB2_1:
0x23: {  	p1 =	sge.u32 s12, s8  }
0x24: {  	s14 =	sxor.u32 @!p1 $0xFFFFFFFF, s12  }
0x25: {  	s14 =	sand.u32 @!p1 $0x1, s14  }
0x26: {  	s14 =	smul.u32 @!p1 $0x640, s14  }
0x27: {  	s31 =	sadd.s32 $0xFFFFFFFF, s12;
	s15 =	sshrl.u32 @!p1 s11, $0x3  }
0x28: {  	s16 =	sand.u32 @!p1 $0x7, s11;
	s15 =	sadd.s32 @!p1 s5, s15;
	s14 =	sshrl.u32 @!p1 s14, $0x2  }
0x29: {  	[tilespmem:s14], [sflag:$0x2] =	stream.linear.gather @!p1 [hbm4b:s15+s16], $0x190, $0x38;
	[tilespmem:$0x19320] =	vst v63  }
0x2a: {  	p1 =	sge.u32 s31, s8  }
.Ltmp2:
0x2b: {  	_ = 	snop;
	(pc) =	sbr.rel @p1 .LBB2_7-.Ltmp2, $1  }
0x2c: {  	_ =	sdelay $0x3  }
0x2d: {  	s14 =	simm.s32 $0x1  }
0x2e: {  	s14 =	simm.s32 @!p0 $0x0  }
0x2f: {  	s15 =	smul.u32 $0x640, s14  }
0x30: {  	_ =	swait.ge [sflag:s7], $0x190  }
0x31: {  	[sflag:s7] =	ssyncset.done $0x0;
	s16 =	sshrl.u32 s15, $0x2  }
0x32: {  	[sflag:s7] =	ssyncadd.s32 $0xFFFFFE70;
	s15 =	sadd.s32 $0x0, s16  }
0x33: {  	v0 =	vld.msk [tilespmem:s15+$0x0 ss:$0x1], $0xffff;
	_ =	sdelay $0x4  }
0x34: {  	v1 =	vand.u32 $0x3, v0;
	v2 =	vshll.u32 v0, $0x5  }
0x35: {  	vm2 =	veq.s32 v0, $0x80000000;
	v0 =	vmul.u32 $0x288000, v1;
	v1 =	vand.u32 $0x3FFF80, v2  }
0x36: {  	v1 =	vsel vm2, $0xFFFFFF80, v1  }
0x37: {  	v0 =	vsel vm2, $0xFFD78000, v0;
	v2 =	vand.u32 $0xFFFFFC00, v1  }
0x38: {  	v1 =	vand.u32 $0x380, v1;
	v0 =	vadd.s32 v0, v2  }
0x39: {  	v0 =	vor.u32 v1, v0  }
0x3a: {  	v0 =	vshrl.u32 v0, $0x3  }
0x3b: {  	s14 =	smul.u32 $0x32000, s14;
	_ =	sdelay $0x1  }
0x3c: {  	s14 =	sshrl.u32 s14, $0x2  }
0x3d: {  	s14 =	sor.u32 $0x320, s14  }
0x3e: {  	[tilespmem:s14], [sflag:$0x1] =	stream.indirect_vreg.gather [hbm:s4], $0x80, v0, vm0, $0x38;
	[tilespmem:$0x19320] =	vst v63  }
0x3f: {  	s17 =	sadd.s32 $0x10, s16;
	s15 =	sadd.s32 $0x400, s14  }
0x40: {  	[tilespmem:s15], [sflag:$0x1] =	stream.indirect_vreg.gather [hbm:s4], $0x80, v0, vm1, $0x38;
	[tilespmem:$0x19320] =	vst v63  }
0x41: {  	s18 =	simm.s32 $0x80;
	v0 =	vld.msk [tilespmem:s17+$0x0 ss:$0x1], $0xffff;
	s17 =	smov.u32 s14  }
.LBB2_3:
0x42: {  	p1 =	sne.s32 s18, $0x600;
	_ =	sdelay $0x4  }
0x43: {  	v1 =	vand.u32 $0x3, v0;
	v2 =	vshll.u32 v0, $0x5  }
0x44: {  	vm2 =	veq.s32 v0, $0x80000000;
	v0 =	vmul.u32 $0x288000, v1;
	v1 =	vand.u32 $0x3FFF80, v2  }
0x45: {  	v1 =	vsel vm2, $0xFFFFFF80, v1  }
0x46: {  	v0 =	vsel vm2, $0xFFD78000, v0;
	v2 =	vand.u32 $0xFFFFFC00, v1  }
0x47: {  	v1 =	vand.u32 $0x380, v1;
	v0 =	vadd.s32 v0, v2  }
0x48: {  	v0 =	vor.u32 v1, v0  }
0x49: {  	v0 =	vshrl.u32 v0, $0x3;
	_ =	sdelay $0x3  }
.Ltmp3:
0x4a: {  	s19 =	sshra.s32 s18, $0x2;
	s17 =	sadd.s32 $0x800, s17;
	(pc) =	sbr.rel @p1 .LBB2_3-.Ltmp3, $4  }
0x4b: {  	[tilespmem:s17], [sflag:$0x1] =	stream.indirect_vreg.gather [hbm:s4], $0x80, v0, vm0, $0x38;
	[tilespmem:$0x19320] =	vst v63  }
0x4c: {  	s19 =	sadd.s32 s19, s16;
	s20 =	sadd.s32 $0x400, s17  }
0x4d: {  	[tilespmem:s20], [sflag:$0x1] =	stream.indirect_vreg.gather [hbm:s4], $0x80, v0, vm1, $0x38;
	[tilespmem:$0x19320] =	vst v63  }
0x4e: {  	s18 =	sadd.s32 $0x40, s18;
	v0 =	vld.msk [tilespmem:s19+$0x0 ss:$0x1], $0xffff  }
0x4f: {  	_ =	sdelay $0x3  }
0x50: {  	v1 =	vand.u32 $0x3, v0;
	v2 =	vshll.u32 v0, $0x5  }
0x51: {  	vm2 =	veq.s32 v0, $0x80000000;
	v61 =	vmul.u32 $0x288000, v1;
	v62 =	vand.u32 $0x3FFF80, v2  }
0x52: {  	v1 =	vsel vm2, $0xFFFFFF80, v62  }
0x53: {  	v0 =	vsel vm2, $0xFFD78000, v61;
	v63 =	vand.u32 $0xFFFFFC00, v1  }
0x54: {  	v1 =	vand.u32 $0x380, v1;
	v0 =	vadd.s32 v0, v63  }
0x55: {  	v0 =	vor.u32 v1, v0  }
0x56: {  	v0 =	vshrl.u32 v0, $0x3;
	_ =	sdelay $0x3  }
0x57: {  	s16 =	sadd.s32 $0x800, s17  }
0x58: {  	[tilespmem:s16], [sflag:$0x1] =	stream.indirect_vreg.gather [hbm:s4], $0x80, v0, vm0, $0x38;
	[tilespmem:$0x19320] =	vst v63  }
0x59: {  	s16 =	sadd.s32 $0x400, s16  }
0x5a: {  	[tilespmem:s16], [sflag:$0x1] =	stream.indirect_vreg.gather [hbm:s4], $0x80, v0, vm1, $0x38;
	[tilespmem:$0x19320] =	vst v63  }
0x5b: {  	s13 =	sshll.u32 s13, $0x4;
	_ =	swait.ge [sflag:s6], $0xC800  }
0x5c: {  	s13 =	sadd.s32 s13, s9;
	[sflag:s6] =	ssyncset.done $0x0  }
0x5d: {  	s17 =	sadd.s32 $0x0, s13;
	s16 =	simm.s32 $0x80;
	[sflag:s6] =	ssyncadd.s32 $0xFFFF3800  }
.LBB2_5:
0x5e: {  	[hbm:s17] =	stream.linear.scatter [tilespmem:s14], [sflag:$0x3], $0x400, $0x38;
	[tilespmem:$0x19320] =	vst v63  }
0x5f: {  	s17 =	smov.u32 s16;
	s14 =	smov.u32 s15;
	p1 =	sne.s32 s16, $0x1880  }
.Ltmp4:
0x60: {  	s16 =	sadd.s32 $0x80, s16;
	(pc) =	sbr.rel @p1 .LBB2_5-.Ltmp4, $2  }
0x61: {  	_ =	sdelay $0x2  }
0x62: {  	s15 =	sadd.s32 $0x400, s15;
	s17 =	sadd.s32 s17, s13  }
.Ltmp5:
0x63: {  	_ = 	snop;
	(pc) =	sbr.rel .LBB2_6-.Ltmp5, $1  }
0x64: {  	_ =	sdelay $0x3  }
.LBB2_8:
0x65: {  	_ =	sfence.sel $0x180000  }
0x66: {  	s1 =	simm.s32 $0x2;
	[bflag:$0x0] =	sbarrier.arrive $0xFFFF  }
0x67: {  	s30 =	simm.s32 $0x3;
	[sflag:s1] =	ssyncpa.u1 $0x1  }
0x68: {  	s31 =	simm.s32 $0x1;
	[sflag:s30] =	ssyncpa.u1 $0x1  }
0x69: {  	[sflag:s31] =	ssyncpa.u1 $0x1  }
0x6a: {  	p0 =	sne.s32 s0, $0x0;
	_ =	strace $0x90000047  }
0x6b: {  	s0 =	sadd.s32 @!p0 $0x100000, s2;
	[bflag:$0x2] =	sbarrier.arrive $0xFFFF  }
0x6c: {  	[sflag:s0] =	ssyncadd.tile.s32 @!p0 $0x1;
	_ =	shalt  }
.Lfunc_end2:
_tile_overlayer_lowered:
.L_overlay_start_2:
0x6d: {  	(tag) =	ssettag $0x2  }
0x6e: {  	s0 =	rddreg [dreg:$0x0];
	s2 =	stileid.u32  }
0x6f: {  	s1 =	rddreg [dreg:$0x1];
	p0 =	sne.s32 s2, $0x0  }
0x70: {  	s3 =	rddreg [dreg:$0x2];
	[bflag:$0x3] =	sbarrier.arrive $0xFFFF;
	s2 =	simm.s32 @!p0 $0x1C01  }
0x71: {  	[timem:s3], [sflag:s2] =	dma.local @!p0 [hbm:s0], s1  }
0x72: {  	s0 =	simm.s32 @!p0 $0x1  }
0x73: {  	_ =	swait.ge @!p0 [sflag:s0], s1  }
0x74: {  	s1 =	ssub.s32 @!p0 $0x0, s1;
	[sflag:s0] =	ssyncset.done @!p0 $0x0  }
0x75: {  	[sflag:s0] =	ssyncadd.s32 @!p0 s1  }
0x76: {  	[bflag:$0x3] =	sbarrier.arrive $0xFFFF  }
0x77: {  	_ =	shalt  }

</sc_bundles>
